<compile_context>
chip_gen: v7x
topology: tpu7x:2x2x1
jax: 0.10.2.dev20260603
libtpu: 0.0.44.dev20260713+nightly
codegen_flags: <defaults>
</compile_context>

<pallas_src>
import functools

import jax
import jax.numpy as jnp
from jax import lax
from jax.experimental import pallas as pl
from jax.experimental.pallas import tpu as pltpu
from jax.experimental.pallas import tpu_sc as plsc

N = 10000
NP = 10112
E = 160000
ER = 1280
ERP = 1344
RPW_DEG = ER // 32
RPS = ER // 16
R0 = 62
R0A = 56
RMAX = 64
NPS = NP // 16


@functools.cache
def _make_deg():
    mesh = plsc.VectorSubcoreMesh(core_axis_name="c", subcore_axis_name="s")

    @functools.partial(
        pl.kernel, mesh=mesh,
        out_type=jax.ShapeDtypeStruct((2, NP, 128), jnp.float32),
        scratch_types=[
            pltpu.VMEM((RPW_DEG, 128), jnp.int32),
            pltpu.VMEM((128, 128), jnp.float32),
            pltpu.VMEM_SHARED((NP, 128), jnp.float32),
            pltpu.SemaphoreType.DMA,
        ],
    )
    def k(dst_hbm, ones_hbm, zeros_hbm, out_hbm, dst_v, ones_v, accum, sem):
        c = lax.axis_index("c")
        s = lax.axis_index("s")
        w = c * 16 + s
        base = s * NPS
        pltpu.sync_copy(zeros_hbm.at[pl.ds(base, NPS)], accum.at[pl.ds(base, NPS)])
        pltpu.sync_copy(dst_hbm.at[pl.ds(w * RPW_DEG, RPW_DEG)], dst_v)
        pltpu.sync_copy(ones_hbm, ones_v)
        plsc.subcore_barrier()

        def body(j, carry):
            pltpu.async_copy(ones_v, accum.at[dst_v.at[j]], sem, add=True)
            return carry

        lax.fori_loop(0, RPW_DEG, body, 0)

        def drain(j, carry):
            pltpu.make_async_copy(ones_v, accum.at[dst_v.at[0]], sem).wait()
            return carry

        lax.fori_loop(0, RPW_DEG, drain, 0)
        plsc.subcore_barrier()
        pltpu.sync_copy(accum.at[pl.ds(base, NPS)], out_hbm.at[c, pl.ds(base, NPS)])

    return k


@functools.cache
def _make_agg():
    mesh = plsc.VectorSubcoreMesh(core_axis_name="c", subcore_axis_name="s")

    @functools.partial(
        pl.kernel, mesh=mesh,
        out_type=jax.ShapeDtypeStruct((2, NP, 128), jnp.float32),
        scratch_types=[
            pltpu.VMEM((RMAX, 128), jnp.int32),
            pltpu.VMEM((RMAX, 128), jnp.int32),
            pltpu.VMEM((128, 128), jnp.float32),
            pltpu.VMEM((128, 128), jnp.float32),
            pltpu.VMEM_SHARED((NP, 128), jnp.float32),
            pltpu.SemaphoreType.DMA,
            pltpu.SemaphoreType.DMA,
        ],
    )
    def k(g_hbm, src_hbm, dst_hbm, zeros_hbm, out_hbm,
          src_v, dst_v, buf_a, buf_b, accum, sem_a, sem_b):
        c = lax.axis_index("c")
        s = lax.axis_index("s")
        base = s * NPS
        row0 = s * RPS + c * R0A
        off = c * (R0 - R0A)
        nr = R0 + c * (RPS - 2 * R0)
        pltpu.sync_copy(zeros_hbm.at[pl.ds(base, NPS)], accum.at[pl.ds(base, NPS)])
        pltpu.sync_copy(src_hbm.at[pl.ds(row0, RMAX)], src_v)
        pltpu.sync_copy(dst_hbm.at[pl.ds(row0, RMAX)], dst_v)
        plsc.subcore_barrier()

        def gather(j, buf, sem):
            pltpu.async_copy(g_hbm.at[src_v.at[off + j]], buf, sem)

        def gwait(buf, sem):
            pltpu.make_async_copy(g_hbm.at[src_v.at[0]], buf, sem).wait()

        def scatter(j, buf):
            pltpu.sync_copy(buf, accum.at[dst_v.at[off + j]], add=True)

        def body(p, carry):
            j0 = 2 * p
            gather(j0 + 1, buf_b, sem_b)
            gwait(buf_a, sem_a)
            scatter(j0, buf_a)
            jn = lax.min(j0 + 2, nr - 2)
            gather(jn, buf_a, sem_a)
            gwait(buf_b, sem_b)
            scatter(j0 + 1, buf_b)
            return carry

        gather(0, buf_a, sem_a)
        lax.fori_loop(0, nr // 2, body, 0)
        gwait(buf_a, sem_a)

        plsc.subcore_barrier()
        pltpu.sync_copy(accum.at[pl.ds(base, NPS)], out_hbm.at[c, pl.ds(base, NPS)])

    return k



_R = 5000


def _dinv_block(deg_ref):
    p = deg_ref[...]
    return lax.rsqrt(p[0, :, 0:1] + p[1, :, 0:1] + 1.0)


def _mm1(degp, x, W1):
    def body(deg_ref, x_ref, w_ref, out_ref):
        h = jnp.dot(x_ref[...], w_ref[...], preferred_element_type=jnp.float32)
        out_ref[...] = h * _dinv_block(deg_ref)

    return pl.pallas_call(
        body,
        grid=(2,),
        in_specs=[
            pl.BlockSpec((2, _R, 128), lambda i: (0, i, 0)),
            pl.BlockSpec((_R, 256), lambda i: (i, 0)),
            pl.BlockSpec((256, 128), lambda i: (0, 0)),
        ],
        out_specs=pl.BlockSpec((_R, 128), lambda i: (i, 0)),
        out_shape=jax.ShapeDtypeStruct((NP, 128), jnp.float32),
    )(degp, x, W1)


def _mid(degp, agg1, g1, b1):
    def body(deg_ref, a_ref, g_ref, b_ref, out_ref):
        dinv = _dinv_block(deg_ref)
        a = a_ref[...]
        x1 = a[0] + a[1] + g_ref[...]
        out_ref[...] = dinv * jnp.maximum(dinv * x1 + b_ref[...], 0.0)

    return pl.pallas_call(
        body,
        grid=(2,),
        in_specs=[
            pl.BlockSpec((2, _R, 128), lambda i: (0, i, 0)),
            pl.BlockSpec((2, _R, 128), lambda i: (0, i, 0)),
            pl.BlockSpec((_R, 128), lambda i: (i, 0)),
            pl.BlockSpec((1, 128), lambda i: (0, 0)),
        ],
        out_specs=pl.BlockSpec((_R, 128), lambda i: (i, 0)),
        out_shape=jax.ShapeDtypeStruct((NP, 128), jnp.float32),
    )(degp, agg1, g1, b1.reshape(1, 128))


def _final(degp, agg2, y, W2, b2):
    def body(deg_ref, a_ref, y_ref, w_ref, b_ref, out_ref):
        dinv = _dinv_block(deg_ref)
        a = a_ref[...]
        z = dinv * (a[0] + a[1] + y_ref[...])
        out_ref[...] = (
            jnp.dot(z, w_ref[...], preferred_element_type=jnp.float32)
            + b_ref[...]
        )

    return pl.pallas_call(
        body,
        grid=(2,),
        in_specs=[
            pl.BlockSpec((2, _R, 128), lambda i: (0, i, 0)),
            pl.BlockSpec((2, _R, 128), lambda i: (0, i, 0)),
            pl.BlockSpec((_R, 128), lambda i: (i, 0)),
            pl.BlockSpec((128, 256), lambda i: (0, 0)),
            pl.BlockSpec((1, 256), lambda i: (0, 0)),
        ],
        out_specs=pl.BlockSpec((_R, 256), lambda i: (i, 0)),
        out_shape=jax.ShapeDtypeStruct((N, 256), jnp.float32),
    )(degp, agg2, y, W2, b2.reshape(1, 256))



def kernel(x, edge_index, W1, b1, W2, b2):
    src = edge_index[0].astype(jnp.int32)
    dst = edge_index[1].astype(jnp.int32)
    pad = jnp.full((ERP * 128 - E,), N, jnp.int32)
    srcp = jnp.concatenate([src, pad]).reshape(ERP, 128)
    dstp = jnp.concatenate([dst, pad]).reshape(ERP, 128)

    ones = jnp.ones((128, 128), jnp.float32)
    z128 = jnp.zeros((NP, 128), jnp.float32)

    degp = _make_deg()(dstp, ones, z128)
    g1 = _mm1(degp, x, W1)
    agg1 = _make_agg()(g1, srcp, dstp, z128)
    y = _mid(degp, agg1, g1, b1)
    agg2 = _make_agg()(y, srcp, dstp, z128)
    return _final(degp, agg2, y, W2, b2)

# --- scband reference (transcript-rebuilt; emitter-appended) ---
"""Pipeline reference for scband-gcnencoder-12335146074225 (READ-ONLY COPY).

The authoritative reference and input builder live on the scoring server;
editing this copy changes nothing except your own understanding.
"""

import jax, jax.numpy as jnp
import numpy as np

N_NODES = 10000


def _gcn_conv(x, edge_index, W, b):
    # x: [N, Fin], edge_index: [2, E]
    n = x.shape[0]
    h = x @ W  # linear transform first (PyG GCNConv default)
    src = edge_index[0]
    dst = edge_index[1]
    # add self-loops
    loop = jnp.arange(n, dtype=edge_index.dtype)
    src = jnp.concatenate([src, loop])
    dst = jnp.concatenate([dst, loop])
    # symmetric normalization: deg computed on dst (in-degree incl. self-loops)
    ones = jnp.ones(src.shape[0], dtype=h.dtype)
    deg = jnp.zeros((n,), dtype=h.dtype).at[dst].add(ones)
    dinv = jnp.where(deg > 0, jax.lax.rsqrt(deg), 0.0)
    norm = dinv[src] * dinv[dst]
    msgs = h[src] * norm[:, None]
    out = jnp.zeros((n, h.shape[1]), dtype=h.dtype).at[dst].add(msgs)
    return out + b


def setup_inputs(seed: int = 0) -> dict:
    key = jax.random.key(seed)
    k1, k2, k3, k4, k5, k6 = jax.random.split(key, 6)
    x = jax.random.normal(k1, (N_NODES, 256), dtype=jnp.float32)
    edge_index = jax.random.randint(k2, (2, 160000), 0, N_NODES, dtype=jnp.int64)
    # conv1: 256 -> 128, conv2: 128 -> 256 (glorot-style init)
    W1 = jax.random.normal(k3, (256, 128), dtype=jnp.float32) * (1.0 / np.sqrt(256))
    b1 = jnp.zeros((128,), dtype=jnp.float32)
    W2 = jax.random.normal(k4, (128, 256), dtype=jnp.float32) * (1.0 / np.sqrt(128))
    b2 = jnp.zeros((256,), dtype=jnp.float32)
    return {"x": x, "edge_index": edge_index, "W1": W1, "b1": b1, "W2": W2, "b2": b2}


def reference(x, edge_index, W1, b1, W2, b2):
    h = _gcn_conv(x, edge_index, W1, b1)
    h = jax.nn.relu(h)
    # F.dropout with training=False (eval mode) is identity; deterministic reference
    out = _gcn_conv(h, edge_index, W2, b2)
    return out

if __name__ == "__main__":
    import jax
    _d = setup_inputs()
    print(jax.jit(kernel)(*tuple(_d.values())))

</pallas_src>

<mosaic_0001>
#map = affine_map<(d0, d1) -> (0, 0)>
#map1 = affine_map<(d0, d1) -> (0, 0, 0)>
module attributes {stable_mosaic.version = 14 : i64} {
  func.func @k(%arg0: i32, %arg1: i32, %arg2: memref<10112x128xf32, #tpu.memory_space<hbm>>, %arg3: memref<1344x128xi32, #tpu.memory_space<hbm>>, %arg4: memref<1344x128xi32, #tpu.memory_space<hbm>>, %arg5: memref<10112x128xf32, #tpu.memory_space<hbm>>, %arg6: memref<2x10112x128xf32, #tpu.memory_space<hbm>>, %arg7: memref<64x128xi32, #tpu.memory_space<vmem>>, %arg8: memref<64x128xi32, #tpu.memory_space<vmem>>, %arg9: memref<128x128xf32, #tpu.memory_space<vmem>>, %arg10: memref<128x128xf32, #tpu.memory_space<vmem>>, %arg11: memref<10112x128xf32, #tpu.memory_space<vmem_shared>>, %arg12: memref<!tpu.dma_semaphore, #tpu.memory_space<semaphore_mem>>, %arg13: memref<!tpu.dma_semaphore, #tpu.memory_space<semaphore_mem>>) attributes {dimension_semantics = [#tpu.dimension_semantics<core_parallel>, #tpu.dimension_semantics<subcore_parallel>], iteration_bounds = array<i64: 2, 16>, scalar_prefetch = 0 : i64, scratch_operands = 7 : i64, tpu.core_type = #tpu.core_type<sc_vector_subcore>, window_params = [{transform_indices = #map}, {transform_indices = #map}, {transform_indices = #map}, {transform_indices = #map}, {transform_indices = #map1}]} {
    %mul3A = arith.constant 632 : i32
    %mul3A_0 = arith.muli %arg1, %mul3A : i32
    %mul3A_1 = arith.constant 80 : i32
    %mul3A_2 = arith.muli %arg1, %mul3A_1 : i32
    %mul3A_3 = arith.constant 56 : i32
    %mul3A_4 = arith.muli %arg0, %mul3A_3 : i32
    %add3A = arith.addi %mul3A_2, %mul3A_4 : i32
    %mul3A_5 = arith.constant 6 : i32
    %mul3A_6 = arith.muli %arg0, %mul3A_5 : i32
    %mul3A_7 = arith.constant -44 : i32
    %mul3A_8 = arith.muli %arg0, %mul3A_7 : i32
    %add3A_9 = arith.constant 62 : i32
    %add3A_10 = arith.addi %add3A_9, %mul3A_8 : i32
    "tpu.region"() ({
      %run_scoped3A = tpu.sem_alloc : memref<!tpu.dma_semaphore, #tpu.memory_space<semaphore_mem>>
      %dma_start3A_50 = arith.constant 0 : i32
      %dma_start3A_51 = tpu.memref_slice %arg11[%mul3A_0, %dma_start3A_50] : memref<10112x128xf32, #tpu.memory_space<vmem_shared>> -> memref<632x128xf32, #tpu.memory_space<vmem_shared>>
      %dma_start3A_52 = arith.constant 0 : i32
      %dma_start3A_53 = tpu.memref_slice %arg5[%mul3A_0, %dma_start3A_52] : memref<10112x128xf32, #tpu.memory_space<hbm>> -> memref<632x128xf32, #tpu.memory_space<hbm>>
      tpu.enqueue_dma source(%dma_start3A_53 : memref<632x128xf32, #tpu.memory_space<hbm>>) target(%dma_start3A_51 : memref<632x128xf32, #tpu.memory_space<vmem_shared>>) target_semaphore(%run_scoped3A : memref<!tpu.dma_semaphore, #tpu.memory_space<semaphore_mem>>)
      %dma_wait3A_54 = arith.constant 0 : i32
      %dma_wait3A_55 = tpu.memref_slice %arg11[%mul3A_0, %dma_wait3A_54] : memref<10112x128xf32, #tpu.memory_space<vmem_shared>> -> memref<632x128xf32, #tpu.memory_space<vmem_shared>>
      %dma_wait3A_56 = arith.constant 0 : i32
      %dma_wait3A_57 = tpu.memref_slice %arg5[%mul3A_0, %dma_wait3A_56] : memref<10112x128xf32, #tpu.memory_space<hbm>> -> memref<632x128xf32, #tpu.memory_space<hbm>>
      tpu.wait_dma2 semaphore(%run_scoped3A : memref<!tpu.dma_semaphore, #tpu.memory_space<semaphore_mem>>) src(%dma_wait3A_57 : memref<632x128xf32, #tpu.memory_space<hbm>>) dst(%dma_wait3A_55 : memref<632x128xf32, #tpu.memory_space<vmem_shared>>)
      tpu.yield
    }) : () -> ()
    "tpu.region"() ({
      %run_scoped3A = tpu.sem_alloc : memref<!tpu.dma_semaphore, #tpu.memory_space<semaphore_mem>>
      %dma_start3A_50 = arith.constant 0 : i32
      %dma_start3A_51 = tpu.memref_slice %arg3[%add3A, %dma_start3A_50] : memref<1344x128xi32, #tpu.memory_space<hbm>> -> memref<64x128xi32, #tpu.memory_space<hbm>>
      %dma_start3A_52 = arith.constant 0 : i32
      %dma_start3A_53 = tpu.memref_slice %arg3[%add3A, %dma_start3A_52] : memref<1344x128xi32, #tpu.memory_space<hbm>> -> memref<64x128xi32, #tpu.memory_space<hbm>>
      tpu.enqueue_dma source(%dma_start3A_53 : memref<64x128xi32, #tpu.memory_space<hbm>>) target(%arg7 : memref<64x128xi32, #tpu.memory_space<vmem>>) target_semaphore(%run_scoped3A : memref<!tpu.dma_semaphore, #tpu.memory_space<semaphore_mem>>)
      %dma_wait3A_54 = arith.constant 0 : i32
      %dma_wait3A_55 = tpu.memref_slice %arg3[%add3A, %dma_wait3A_54] : memref<1344x128xi32, #tpu.memory_space<hbm>> -> memref<64x128xi32, #tpu.memory_space<hbm>>
      %dma_wait3A_56 = arith.constant 0 : i32
      %dma_wait3A_57 = tpu.memref_slice %arg3[%add3A, %dma_wait3A_56] : memref<1344x128xi32, #tpu.memory_space<hbm>> -> memref<64x128xi32, #tpu.memory_space<hbm>>
      tpu.wait_dma2 semaphore(%run_scoped3A : memref<!tpu.dma_semaphore, #tpu.memory_space<semaphore_mem>>) src(%dma_wait3A_57 : memref<64x128xi32, #tpu.memory_space<hbm>>) dst(%arg7 : memref<64x128xi32, #tpu.memory_space<vmem>>)
      tpu.yield
    }) : () -> ()
    "tpu.region"() ({
      %run_scoped3A = tpu.sem_alloc : memref<!tpu.dma_semaphore, #tpu.memory_space<semaphore_mem>>
      %dma_start3A_50 = arith.constant 0 : i32
      %dma_start3A_51 = tpu.memref_slice %arg4[%add3A, %dma_start3A_50] : memref<1344x128xi32, #tpu.memory_space<hbm>> -> memref<64x128xi32, #tpu.memory_space<hbm>>
      %dma_start3A_52 = arith.constant 0 : i32
      %dma_start3A_53 = tpu.memref_slice %arg4[%add3A, %dma_start3A_52] : memref<1344x128xi32, #tpu.memory_space<hbm>> -> memref<64x128xi32, #tpu.memory_space<hbm>>
      tpu.enqueue_dma source(%dma_start3A_53 : memref<64x128xi32, #tpu.memory_space<hbm>>) target(%arg8 : memref<64x128xi32, #tpu.memory_space<vmem>>) target_semaphore(%run_scoped3A : memref<!tpu.dma_semaphore, #tpu.memory_space<semaphore_mem>>)
      %dma_wait3A_54 = arith.constant 0 : i32
      %dma_wait3A_55 = tpu.memref_slice %arg4[%add3A, %dma_wait3A_54] : memref<1344x128xi32, #tpu.memory_space<hbm>> -> memref<64x128xi32, #tpu.memory_space<hbm>>
      %dma_wait3A_56 = arith.constant 0 : i32
      %dma_wait3A_57 = tpu.memref_slice %arg4[%add3A, %dma_wait3A_56] : memref<1344x128xi32, #tpu.memory_space<hbm>> -> memref<64x128xi32, #tpu.memory_space<hbm>>
      tpu.wait_dma2 semaphore(%run_scoped3A : memref<!tpu.dma_semaphore, #tpu.memory_space<semaphore_mem>>) src(%dma_wait3A_57 : memref<64x128xi32, #tpu.memory_space<hbm>>) dst(%arg8 : memref<64x128xi32, #tpu.memory_space<vmem>>)
      tpu.yield
    }) : () -> ()
    %barrier3A = arith.constant 0 : index
    tpu.barrier barrier_id(%barrier3A)
    %add3A_11 = arith.constant 0 : i32
    %add3A_12 = arith.addi %mul3A_6, %add3A_11 : i32
    %dma_start3A = arith.constant 0 : i32
    %dma_start3A_13 = tpu.memref_slice %arg7[%add3A_12, %dma_start3A] : memref<64x128xi32, #tpu.memory_space<vmem>> -> memref<1x128xi32, #tpu.memory_space<vmem>>
    %dma_start3A_14 = tpu.memref_squeeze %dma_start3A_13 : memref<1x128xi32, #tpu.memory_space<vmem>> -> memref<128xi32, #tpu.memory_space<vmem>>
    %dma_start3A_15 = arith.constant 0 : i32
    %dma_start3A_16 = arith.constant 0 : i32
    %dma_start3A_17 = tpu.memref_slice %arg2[%dma_start3A_15, %dma_start3A_16] : memref<10112x128xf32, #tpu.memory_space<hbm>> -> memref<10112x128xf32, #tpu.memory_space<hbm>>
    tpu.enqueue_indirect_dma source(%dma_start3A_17 : memref<10112x128xf32, #tpu.memory_space<hbm>>) target(%arg9 : memref<128x128xf32, #tpu.memory_space<vmem>>) offsets(%dma_start3A_14 : memref<128xi32, #tpu.memory_space<vmem>>) semaphore(%arg12 : memref<!tpu.dma_semaphore, #tpu.memory_space<semaphore_mem>>)
    %jit3A = arith.constant 2 : i32
    %div3A = arith.divsi %add3A_10, %jit3A : i32
    %sign3A = arith.constant 0 : i32
    %sign3A_18 = arith.cmpi sgt, %add3A_10, %sign3A : i32
    %sign3A_19 = arith.extui %sign3A_18 : i1 to i32
    %sign3A_20 = arith.constant 0 : i32
    %sign3A_21 = arith.cmpi slt, %add3A_10, %sign3A_20 : i32
    %sign3A_22 = arith.extui %sign3A_21 : i1 to i32
    %sign3A_23 = arith.subi %sign3A_19, %sign3A_22 : i32
    %sign3A_24 = arith.constant 0 : i32
    %sign3A_25 = arith.cmpi sgt, %jit3A, %sign3A_24 : i32
    %sign3A_26 = arith.extui %sign3A_25 : i1 to i32
    %sign3A_27 = arith.constant 0 : i32
    %sign3A_28 = arith.cmpi slt, %jit3A, %sign3A_27 : i32
    %sign3A_29 = arith.extui %sign3A_28 : i1 to i32
    %sign3A_30 = arith.subi %sign3A_26, %sign3A_29 : i32
    %ne3A = arith.cmpi ne, %sign3A_23, %sign3A_30 : i32
    %rem3A = arith.remsi %add3A_10, %jit3A : i32
    %ne3A_31 = arith.constant 0 : i32
    %ne3A_32 = arith.cmpi ne, %rem3A, %ne3A_31 : i32
    %and3A = arith.andi %ne3A, %ne3A_32 : i1
    %sub3A = arith.constant 1 : i32
    %sub3A_33 = arith.subi %div3A, %sub3A : i32
    %select_n3A = arith.select %and3A, %sub3A_33, %div3A : i32
    %while3A = arith.constant 0 : i32
    %while3A_34 = arith.constant 0 : i32
    %while3A_35 = arith.subi %select_n3A, %while3A_34 : i32
    %while3A_36 = arith.addi %while3A_34, %while3A_35 : i32
    %while3A_37 = arith.constant 1 : i32
    %while3A_38 = arith.divsi %while3A_35, %while3A_37 : i32
    %while3A_39 = arith.muli %while3A_38, %while3A_37 : i32
    %while3A_40 = arith.addi %while3A_34, %while3A_39 : i32
    %while3A_41 = arith.constant 1 : i32
    scf.for %while3A_50 = %while3A_34 to %while3A_40 step %while3A_41  : i32 {
      %mul3A_51 = arith.constant 2 : i32
      %mul3A_52 = arith.muli %mul3A_51, %while3A_50 : i32
      %add3A_53 = arith.constant 1 : i32
      %add3A_54 = arith.addi %mul3A_52, %add3A_53 : i32
      %add3A_55 = arith.addi %mul3A_6, %add3A_54 : i32
      %dma_start3A_56 = arith.constant 0 : i32
      %dma_start3A_57 = tpu.memref_slice %arg7[%add3A_55, %dma_start3A_56] : memref<64x128xi32, #tpu.memory_space<vmem>> -> memref<1x128xi32, #tpu.memory_space<vmem>>
      %dma_start3A_58 = tpu.memref_squeeze %dma_start3A_57 : memref<1x128xi32, #tpu.memory_space<vmem>> -> memref<128xi32, #tpu.memory_space<vmem>>
      %dma_start3A_59 = arith.constant 0 : i32
      %dma_start3A_60 = arith.constant 0 : i32
      %dma_start3A_61 = tpu.memref_slice %arg2[%dma_start3A_59, %dma_start3A_60] : memref<10112x128xf32, #tpu.memory_space<hbm>> -> memref<10112x128xf32, #tpu.memory_space<hbm>>
      tpu.enqueue_indirect_dma source(%dma_start3A_61 : memref<10112x128xf32, #tpu.memory_space<hbm>>) target(%arg10 : memref<128x128xf32, #tpu.memory_space<vmem>>) offsets(%dma_start3A_58 : memref<128xi32, #tpu.memory_space<vmem>>) semaphore(%arg13 : memref<!tpu.dma_semaphore, #tpu.memory_space<semaphore_mem>>)
      %dma_wait3A_62 = arith.constant 0 : i32
      %dma_wait3A_63 = arith.constant 0 : i32
      %dma_wait3A_64 = tpu.memref_slice %arg7[%dma_wait3A_62, %dma_wait3A_63] : memref<64x128xi32, #tpu.memory_space<vmem>> -> memref<1x128xi32, #tpu.memory_space<vmem>>
      %dma_wait3A_65 = tpu.memref_squeeze %dma_wait3A_64 : memref<1x128xi32, #tpu.memory_space<vmem>> -> memref<128xi32, #tpu.memory_space<vmem>>
      %dma_wait3A_66 = arith.constant 0 : i32
      %dma_wait3A_67 = arith.constant 0 : i32
      %dma_wait3A_68 = tpu.memref_slice %arg2[%dma_wait3A_66, %dma_wait3A_67] : memref<10112x128xf32, #tpu.memory_space<hbm>> -> memref<10112x128xf32, #tpu.memory_space<hbm>>
      tpu.wait_indirect_dma semaphore(%arg12 : memref<!tpu.dma_semaphore, #tpu.memory_space<semaphore_mem>>) src(%dma_wait3A_68 : memref<10112x128xf32, #tpu.memory_space<hbm>>) dst(%arg9 : memref<128x128xf32, #tpu.memory_space<vmem>>)
      %add3A_69 = arith.addi %mul3A_6, %mul3A_52 : i32
      "tpu.region"() ({
        %run_scoped3A = tpu.sem_alloc : memref<!tpu.dma_semaphore, #tpu.memory_space<semaphore_mem>>
        %dma_start3A_91 = arith.constant 0 : i32
        %dma_start3A_92 = tpu.memref_slice %arg8[%add3A_69, %dma_start3A_91] : memref<64x128xi32, #tpu.memory_space<vmem>> -> memref<1x128xi32, #tpu.memory_space<vmem>>
        %dma_start3A_93 = tpu.memref_squeeze %dma_start3A_92 : memref<1x128xi32, #tpu.memory_space<vmem>> -> memref<128xi32, #tpu.memory_space<vmem>>
        %dma_start3A_94 = arith.constant 0 : i32
        %dma_start3A_95 = arith.constant 0 : i32
        %dma_start3A_96 = tpu.memref_slice %arg11[%dma_start3A_94, %dma_start3A_95] : memref<10112x128xf32, #tpu.memory_space<vmem_shared>> -> memref<10112x128xf32, #tpu.memory_space<vmem_shared>>
        tpu.enqueue_indirect_dma source(%arg9 : memref<128x128xf32, #tpu.memory_space<vmem>>) target(%dma_start3A_96 : memref<10112x128xf32, #tpu.memory_space<vmem_shared>>) offsets(%dma_start3A_93 : memref<128xi32, #tpu.memory_space<vmem>>) semaphore(%run_scoped3A : memref<!tpu.dma_semaphore, #tpu.memory_space<semaphore_mem>>) {add = true}
        %dma_wait3A_97 = arith.constant 0 : i32
        %dma_wait3A_98 = tpu.memref_slice %arg8[%add3A_69, %dma_wait3A_97] : memref<64x128xi32, #tpu.memory_space<vmem>> -> memref<1x128xi32, #tpu.memory_space<vmem>>
        %dma_wait3A_99 = tpu.memref_squeeze %dma_wait3A_98 : memref<1x128xi32, #tpu.memory_space<vmem>> -> memref<128xi32, #tpu.memory_space<vmem>>
        %dma_wait3A_100 = arith.constant 0 : i32
        %dma_wait3A_101 = arith.constant 0 : i32
        %dma_wait3A_102 = tpu.memref_slice %arg11[%dma_wait3A_100, %dma_wait3A_101] : memref<10112x128xf32, #tpu.memory_space<vmem_shared>> -> memref<10112x128xf32, #tpu.memory_space<vmem_shared>>
        tpu.wait_indirect_dma semaphore(%run_scoped3A : memref<!tpu.dma_semaphore, #tpu.memory_space<semaphore_mem>>) src(%arg9 : memref<128x128xf32, #tpu.memory_space<vmem>>) dst(%dma_wait3A_102 : memref<10112x128xf32, #tpu.memory_space<vmem_shared>>)
        tpu.yield
      }) : () -> ()
      %add3A_70 = arith.constant 2 : i32
      %add3A_71 = arith.addi %mul3A_52, %add3A_70 : i32
      %sub3A_72 = arith.constant 2 : i32
      %sub3A_73 = arith.subi %add3A_10, %sub3A_72 : i32
      %min3A = arith.minsi %add3A_71, %sub3A_73 : i32
      %add3A_74 = arith.addi %mul3A_6, %min3A : i32
      %dma_start3A_75 = arith.constant 0 : i32
      %dma_start3A_76 = tpu.memref_slice %arg7[%add3A_74, %dma_start3A_75] : memref<64x128xi32, #tpu.memory_space<vmem>> -> memref<1x128xi32, #tpu.memory_space<vmem>>
      %dma_start3A_77 = tpu.memref_squeeze %dma_start3A_76 : memref<1x128xi32, #tpu.memory_space<vmem>> -> memref<128xi32, #tpu.memory_space<vmem>>
      %dma_start3A_78 = arith.constant 0 : i32
      %dma_start3A_79 = arith.constant 0 : i32
      %dma_start3A_80 = tpu.memref_slice %arg2[%dma_start3A_78, %dma_start3A_79] : memref<10112x128xf32, #tpu.memory_space<hbm>> -> memref<10112x128xf32, #tpu.memory_space<hbm>>
      tpu.enqueue_indirect_dma source(%dma_start3A_80 : memref<10112x128xf32, #tpu.memory_space<hbm>>) target(%arg9 : memref<128x128xf32, #tpu.memory_space<vmem>>) offsets(%dma_start3A_77 : memref<128xi32, #tpu.memory_space<vmem>>) semaphore(%arg12 : memref<!tpu.dma_semaphore, #tpu.memory_space<semaphore_mem>>)
      %dma_wait3A_81 = arith.constant 0 : i32
      %dma_wait3A_82 = arith.constant 0 : i32
      %dma_wait3A_83 = tpu.memref_slice %arg7[%dma_wait3A_81, %dma_wait3A_82] : memref<64x128xi32, #tpu.memory_space<vmem>> -> memref<1x128xi32, #tpu.memory_space<vmem>>
      %dma_wait3A_84 = tpu.memref_squeeze %dma_wait3A_83 : memref<1x128xi32, #tpu.memory_space<vmem>> -> memref<128xi32, #tpu.memory_space<vmem>>
      %dma_wait3A_85 = arith.constant 0 : i32
      %dma_wait3A_86 = arith.constant 0 : i32
      %dma_wait3A_87 = tpu.memref_slice %arg2[%dma_wait3A_85, %dma_wait3A_86] : memref<10112x128xf32, #tpu.memory_space<hbm>> -> memref<10112x128xf32, #tpu.memory_space<hbm>>
      tpu.wait_indirect_dma semaphore(%arg13 : memref<!tpu.dma_semaphore, #tpu.memory_space<semaphore_mem>>) src(%dma_wait3A_87 : memref<10112x128xf32, #tpu.memory_space<hbm>>) dst(%arg10 : memref<128x128xf32, #tpu.memory_space<vmem>>)
      %add3A_88 = arith.constant 1 : i32
      %add3A_89 = arith.addi %mul3A_52, %add3A_88 : i32
      %add3A_90 = arith.addi %mul3A_6, %add3A_89 : i32
      "tpu.region"() ({
        %run_scoped3A = tpu.sem_alloc : memref<!tpu.dma_semaphore, #tpu.memory_space<semaphore_mem>>
        %dma_start3A_91 = arith.constant 0 : i32
        %dma_start3A_92 = tpu.memref_slice %arg8[%add3A_90, %dma_start3A_91] : memref<64x128xi32, #tpu.memory_space<vmem>> -> memref<1x128xi32, #tpu.memory_space<vmem>>
        %dma_start3A_93 = tpu.memref_squeeze %dma_start3A_92 : memref<1x128xi32, #tpu.memory_space<vmem>> -> memref<128xi32, #tpu.memory_space<vmem>>
        %dma_start3A_94 = arith.constant 0 : i32
        %dma_start3A_95 = arith.constant 0 : i32
        %dma_start3A_96 = tpu.memref_slice %arg11[%dma_start3A_94, %dma_start3A_95] : memref<10112x128xf32, #tpu.memory_space<vmem_shared>> -> memref<10112x128xf32, #tpu.memory_space<vmem_shared>>
        tpu.enqueue_indirect_dma source(%arg10 : memref<128x128xf32, #tpu.memory_space<vmem>>) target(%dma_start3A_96 : memref<10112x128xf32, #tpu.memory_space<vmem_shared>>) offsets(%dma_start3A_93 : memref<128xi32, #tpu.memory_space<vmem>>) semaphore(%run_scoped3A : memref<!tpu.dma_semaphore, #tpu.memory_space<semaphore_mem>>) {add = true}
        %dma_wait3A_97 = arith.constant 0 : i32
        %dma_wait3A_98 = tpu.memref_slice %arg8[%add3A_90, %dma_wait3A_97] : memref<64x128xi32, #tpu.memory_space<vmem>> -> memref<1x128xi32, #tpu.memory_space<vmem>>
        %dma_wait3A_99 = tpu.memref_squeeze %dma_wait3A_98 : memref<1x128xi32, #tpu.memory_space<vmem>> -> memref<128xi32, #tpu.memory_space<vmem>>
        %dma_wait3A_100 = arith.constant 0 : i32
        %dma_wait3A_101 = arith.constant 0 : i32
        %dma_wait3A_102 = tpu.memref_slice %arg11[%dma_wait3A_100, %dma_wait3A_101] : memref<10112x128xf32, #tpu.memory_space<vmem_shared>> -> memref<10112x128xf32, #tpu.memory_space<vmem_shared>>
        tpu.wait_indirect_dma semaphore(%run_scoped3A : memref<!tpu.dma_semaphore, #tpu.memory_space<semaphore_mem>>) src(%arg10 : memref<128x128xf32, #tpu.memory_space<vmem>>) dst(%dma_wait3A_102 : memref<10112x128xf32, #tpu.memory_space<vmem_shared>>)
        tpu.yield
      }) : () -> ()
    }
    %while3A_42 = arith.constant 1 : i32
    scf.for %while3A_50 = %while3A_40 to %while3A_36 step %while3A_42  : i32 {
      %mul3A_51 = arith.constant 2 : i32
      %mul3A_52 = arith.muli %mul3A_51, %while3A_50 : i32
      %add3A_53 = arith.constant 1 : i32
      %add3A_54 = arith.addi %mul3A_52, %add3A_53 : i32
      %add3A_55 = arith.addi %mul3A_6, %add3A_54 : i32
      %dma_start3A_56 = arith.constant 0 : i32
      %dma_start3A_57 = tpu.memref_slice %arg7[%add3A_55, %dma_start3A_56] : memref<64x128xi32, #tpu.memory_space<vmem>> -> memref<1x128xi32, #tpu.memory_space<vmem>>
      %dma_start3A_58 = tpu.memref_squeeze %dma_start3A_57 : memref<1x128xi32, #tpu.memory_space<vmem>> -> memref<128xi32, #tpu.memory_space<vmem>>
      %dma_start3A_59 = arith.constant 0 : i32
      %dma_start3A_60 = arith.constant 0 : i32
      %dma_start3A_61 = tpu.memref_slice %arg2[%dma_start3A_59, %dma_start3A_60] : memref<10112x128xf32, #tpu.memory_space<hbm>> -> memref<10112x128xf32, #tpu.memory_space<hbm>>
      tpu.enqueue_indirect_dma source(%dma_start3A_61 : memref<10112x128xf32, #tpu.memory_space<hbm>>) target(%arg10 : memref<128x128xf32, #tpu.memory_space<vmem>>) offsets(%dma_start3A_58 : memref<128xi32, #tpu.memory_space<vmem>>) semaphore(%arg13 : memref<!tpu.dma_semaphore, #tpu.memory_space<semaphore_mem>>)
      %dma_wait3A_62 = arith.constant 0 : i32
      %dma_wait3A_63 = arith.constant 0 : i32
      %dma_wait3A_64 = tpu.memref_slice %arg7[%dma_wait3A_62, %dma_wait3A_63] : memref<64x128xi32, #tpu.memory_space<vmem>> -> memref<1x128xi32, #tpu.memory_space<vmem>>
      %dma_wait3A_65 = tpu.memref_squeeze %dma_wait3A_64 : memref<1x128xi32, #tpu.memory_space<vmem>> -> memref<128xi32, #tpu.memory_space<vmem>>
      %dma_wait3A_66 = arith.constant 0 : i32
      %dma_wait3A_67 = arith.constant 0 : i32
      %dma_wait3A_68 = tpu.memref_slice %arg2[%dma_wait3A_66, %dma_wait3A_67] : memref<10112x128xf32, #tpu.memory_space<hbm>> -> memref<10112x128xf32, #tpu.memory_space<hbm>>
      tpu.wait_indirect_dma semaphore(%arg12 : memref<!tpu.dma_semaphore, #tpu.memory_space<semaphore_mem>>) src(%dma_wait3A_68 : memref<10112x128xf32, #tpu.memory_space<hbm>>) dst(%arg9 : memref<128x128xf32, #tpu.memory_space<vmem>>)
      %add3A_69 = arith.addi %mul3A_6, %mul3A_52 : i32
      "tpu.region"() ({
        %run_scoped3A = tpu.sem_alloc : memref<!tpu.dma_semaphore, #tpu.memory_space<semaphore_mem>>
        %dma_start3A_91 = arith.constant 0 : i32
        %dma_start3A_92 = tpu.memref_slice %arg8[%add3A_69, %dma_start3A_91] : memref<64x128xi32, #tpu.memory_space<vmem>> -> memref<1x128xi32, #tpu.memory_space<vmem>>
        %dma_start3A_93 = tpu.memref_squeeze %dma_start3A_92 : memref<1x128xi32, #tpu.memory_space<vmem>> -> memref<128xi32, #tpu.memory_space<vmem>>
        %dma_start3A_94 = arith.constant 0 : i32
        %dma_start3A_95 = arith.constant 0 : i32
        %dma_start3A_96 = tpu.memref_slice %arg11[%dma_start3A_94, %dma_start3A_95] : memref<10112x128xf32, #tpu.memory_space<vmem_shared>> -> memref<10112x128xf32, #tpu.memory_space<vmem_shared>>
        tpu.enqueue_indirect_dma source(%arg9 : memref<128x128xf32, #tpu.memory_space<vmem>>) target(%dma_start3A_96 : memref<10112x128xf32, #tpu.memory_space<vmem_shared>>) offsets(%dma_start3A_93 : memref<128xi32, #tpu.memory_space<vmem>>) semaphore(%run_scoped3A : memref<!tpu.dma_semaphore, #tpu.memory_space<semaphore_mem>>) {add = true}
        %dma_wait3A_97 = arith.constant 0 : i32
        %dma_wait3A_98 = tpu.memref_slice %arg8[%add3A_69, %dma_wait3A_97] : memref<64x128xi32, #tpu.memory_space<vmem>> -> memref<1x128xi32, #tpu.memory_space<vmem>>
        %dma_wait3A_99 = tpu.memref_squeeze %dma_wait3A_98 : memref<1x128xi32, #tpu.memory_space<vmem>> -> memref<128xi32, #tpu.memory_space<vmem>>
        %dma_wait3A_100 = arith.constant 0 : i32
        %dma_wait3A_101 = arith.constant 0 : i32
        %dma_wait3A_102 = tpu.memref_slice %arg11[%dma_wait3A_100, %dma_wait3A_101] : memref<10112x128xf32, #tpu.memory_space<vmem_shared>> -> memref<10112x128xf32, #tpu.memory_space<vmem_shared>>
        tpu.wait_indirect_dma semaphore(%run_scoped3A : memref<!tpu.dma_semaphore, #tpu.memory_space<semaphore_mem>>) src(%arg9 : memref<128x128xf32, #tpu.memory_space<vmem>>) dst(%dma_wait3A_102 : memref<10112x128xf32, #tpu.memory_space<vmem_shared>>)
        tpu.yield
      }) : () -> ()
      %add3A_70 = arith.constant 2 : i32
      %add3A_71 = arith.addi %mul3A_52, %add3A_70 : i32
      %sub3A_72 = arith.constant 2 : i32
      %sub3A_73 = arith.subi %add3A_10, %sub3A_72 : i32
      %min3A = arith.minsi %add3A_71, %sub3A_73 : i32
      %add3A_74 = arith.addi %mul3A_6, %min3A : i32
      %dma_start3A_75 = arith.constant 0 : i32
      %dma_start3A_76 = tpu.memref_slice %arg7[%add3A_74, %dma_start3A_75] : memref<64x128xi32, #tpu.memory_space<vmem>> -> memref<1x128xi32, #tpu.memory_space<vmem>>
      %dma_start3A_77 = tpu.memref_squeeze %dma_start3A_76 : memref<1x128xi32, #tpu.memory_space<vmem>> -> memref<128xi32, #tpu.memory_space<vmem>>
      %dma_start3A_78 = arith.constant 0 : i32
      %dma_start3A_79 = arith.constant 0 : i32
      %dma_start3A_80 = tpu.memref_slice %arg2[%dma_start3A_78, %dma_start3A_79] : memref<10112x128xf32, #tpu.memory_space<hbm>> -> memref<10112x128xf32, #tpu.memory_space<hbm>>
      tpu.enqueue_indirect_dma source(%dma_start3A_80 : memref<10112x128xf32, #tpu.memory_space<hbm>>) target(%arg9 : memref<128x128xf32, #tpu.memory_space<vmem>>) offsets(%dma_start3A_77 : memref<128xi32, #tpu.memory_space<vmem>>) semaphore(%arg12 : memref<!tpu.dma_semaphore, #tpu.memory_space<semaphore_mem>>)
      %dma_wait3A_81 = arith.constant 0 : i32
      %dma_wait3A_82 = arith.constant 0 : i32
      %dma_wait3A_83 = tpu.memref_slice %arg7[%dma_wait3A_81, %dma_wait3A_82] : memref<64x128xi32, #tpu.memory_space<vmem>> -> memref<1x128xi32, #tpu.memory_space<vmem>>
      %dma_wait3A_84 = tpu.memref_squeeze %dma_wait3A_83 : memref<1x128xi32, #tpu.memory_space<vmem>> -> memref<128xi32, #tpu.memory_space<vmem>>
      %dma_wait3A_85 = arith.constant 0 : i32
      %dma_wait3A_86 = arith.constant 0 : i32
      %dma_wait3A_87 = tpu.memref_slice %arg2[%dma_wait3A_85, %dma_wait3A_86] : memref<10112x128xf32, #tpu.memory_space<hbm>> -> memref<10112x128xf32, #tpu.memory_space<hbm>>
      tpu.wait_indirect_dma semaphore(%arg13 : memref<!tpu.dma_semaphore, #tpu.memory_space<semaphore_mem>>) src(%dma_wait3A_87 : memref<10112x128xf32, #tpu.memory_space<hbm>>) dst(%arg10 : memref<128x128xf32, #tpu.memory_space<vmem>>)
      %add3A_88 = arith.constant 1 : i32
      %add3A_89 = arith.addi %mul3A_52, %add3A_88 : i32
      %add3A_90 = arith.addi %mul3A_6, %add3A_89 : i32
      "tpu.region"() ({
        %run_scoped3A = tpu.sem_alloc : memref<!tpu.dma_semaphore, #tpu.memory_space<semaphore_mem>>
        %dma_start3A_91 = arith.constant 0 : i32
        %dma_start3A_92 = tpu.memref_slice %arg8[%add3A_90, %dma_start3A_91] : memref<64x128xi32, #tpu.memory_space<vmem>> -> memref<1x128xi32, #tpu.memory_space<vmem>>
        %dma_start3A_93 = tpu.memref_squeeze %dma_start3A_92 : memref<1x128xi32, #tpu.memory_space<vmem>> -> memref<128xi32, #tpu.memory_space<vmem>>
        %dma_start3A_94 = arith.constant 0 : i32
        %dma_start3A_95 = arith.constant 0 : i32
        %dma_start3A_96 = tpu.memref_slice %arg11[%dma_start3A_94, %dma_start3A_95] : memref<10112x128xf32, #tpu.memory_space<vmem_shared>> -> memref<10112x128xf32, #tpu.memory_space<vmem_shared>>
        tpu.enqueue_indirect_dma source(%arg10 : memref<128x128xf32, #tpu.memory_space<vmem>>) target(%dma_start3A_96 : memref<10112x128xf32, #tpu.memory_space<vmem_shared>>) offsets(%dma_start3A_93 : memref<128xi32, #tpu.memory_space<vmem>>) semaphore(%run_scoped3A : memref<!tpu.dma_semaphore, #tpu.memory_space<semaphore_mem>>) {add = true}
        %dma_wait3A_97 = arith.constant 0 : i32
        %dma_wait3A_98 = tpu.memref_slice %arg8[%add3A_90, %dma_wait3A_97] : memref<64x128xi32, #tpu.memory_space<vmem>> -> memref<1x128xi32, #tpu.memory_space<vmem>>
        %dma_wait3A_99 = tpu.memref_squeeze %dma_wait3A_98 : memref<1x128xi32, #tpu.memory_space<vmem>> -> memref<128xi32, #tpu.memory_space<vmem>>
        %dma_wait3A_100 = arith.constant 0 : i32
        %dma_wait3A_101 = arith.constant 0 : i32
        %dma_wait3A_102 = tpu.memref_slice %arg11[%dma_wait3A_100, %dma_wait3A_101] : memref<10112x128xf32, #tpu.memory_space<vmem_shared>> -> memref<10112x128xf32, #tpu.memory_space<vmem_shared>>
        tpu.wait_indirect_dma semaphore(%run_scoped3A : memref<!tpu.dma_semaphore, #tpu.memory_space<semaphore_mem>>) src(%arg10 : memref<128x128xf32, #tpu.memory_space<vmem>>) dst(%dma_wait3A_102 : memref<10112x128xf32, #tpu.memory_space<vmem_shared>>)
        tpu.yield
      }) : () -> ()
    }
    %dma_wait3A = arith.constant 0 : i32
    %dma_wait3A_43 = arith.constant 0 : i32
    %dma_wait3A_44 = tpu.memref_slice %arg7[%dma_wait3A, %dma_wait3A_43] : memref<64x128xi32, #tpu.memory_space<vmem>> -> memref<1x128xi32, #tpu.memory_space<vmem>>
    %dma_wait3A_45 = tpu.memref_squeeze %dma_wait3A_44 : memref<1x128xi32, #tpu.memory_space<vmem>> -> memref<128xi32, #tpu.memory_space<vmem>>
    %dma_wait3A_46 = arith.constant 0 : i32
    %dma_wait3A_47 = arith.constant 0 : i32
    %dma_wait3A_48 = tpu.memref_slice %arg2[%dma_wait3A_46, %dma_wait3A_47] : memref<10112x128xf32, #tpu.memory_space<hbm>> -> memref<10112x128xf32, #tpu.memory_space<hbm>>
    tpu.wait_indirect_dma semaphore(%arg12 : memref<!tpu.dma_semaphore, #tpu.memory_space<semaphore_mem>>) src(%dma_wait3A_48 : memref<10112x128xf32, #tpu.memory_space<hbm>>) dst(%arg9 : memref<128x128xf32, #tpu.memory_space<vmem>>)
    %barrier3A_49 = arith.constant 0 : index
    tpu.barrier barrier_id(%barrier3A_49)
    "tpu.region"() ({
      %run_scoped3A = tpu.sem_alloc : memref<!tpu.dma_semaphore, #tpu.memory_space<semaphore_mem>>
      %dma_start3A_50 = arith.constant 0 : i32
      %dma_start3A_51 = tpu.memref_slice %arg6[%arg0, %mul3A_0, %dma_start3A_50] : memref<2x10112x128xf32, #tpu.memory_space<hbm>> -> memref<1x632x128xf32, #tpu.memory_space<hbm>>
      %dma_start3A_52 = tpu.memref_squeeze %dma_start3A_51 : memref<1x632x128xf32, #tpu.memory_space<hbm>> -> memref<632x128xf32, #tpu.memory_space<hbm>>
      %dma_start3A_53 = arith.constant 0 : i32
      %dma_start3A_54 = tpu.memref_slice %arg11[%mul3A_0, %dma_start3A_53] : memref<10112x128xf32, #tpu.memory_space<vmem_shared>> -> memref<632x128xf32, #tpu.memory_space<vmem_shared>>
      tpu.enqueue_dma source(%dma_start3A_54 : memref<632x128xf32, #tpu.memory_space<vmem_shared>>) target(%dma_start3A_52 : memref<632x128xf32, #tpu.memory_space<hbm>>) target_semaphore(%run_scoped3A : memref<!tpu.dma_semaphore, #tpu.memory_space<semaphore_mem>>)
      %dma_wait3A_55 = arith.constant 0 : i32
      %dma_wait3A_56 = tpu.memref_slice %arg6[%arg0, %mul3A_0, %dma_wait3A_55] : memref<2x10112x128xf32, #tpu.memory_space<hbm>> -> memref<1x632x128xf32, #tpu.memory_space<hbm>>
      %dma_wait3A_57 = tpu.memref_squeeze %dma_wait3A_56 : memref<1x632x128xf32, #tpu.memory_space<hbm>> -> memref<632x128xf32, #tpu.memory_space<hbm>>
      %dma_wait3A_58 = arith.constant 0 : i32
      %dma_wait3A_59 = tpu.memref_slice %arg11[%mul3A_0, %dma_wait3A_58] : memref<10112x128xf32, #tpu.memory_space<vmem_shared>> -> memref<632x128xf32, #tpu.memory_space<vmem_shared>>
      tpu.wait_dma2 semaphore(%run_scoped3A : memref<!tpu.dma_semaphore, #tpu.memory_space<semaphore_mem>>) src(%dma_wait3A_59 : memref<632x128xf32, #tpu.memory_space<vmem_shared>>) dst(%dma_wait3A_57 : memref<632x128xf32, #tpu.memory_space<hbm>>)
      tpu.yield
    }) : () -> ()
    return
  }
}

#map = affine_map<(d0, d1) -> (0, 0)>
#map1 = affine_map<(d0, d1) -> (0, 0, 0)>
module attributes {stable_mosaic.version = 14 : i64} {
  func.func @k(%arg0: i32, %arg1: i32, %arg2: memref<1344x128xi32, #tpu.memory_space<hbm>>, %arg3: memref<128x128xf32, #tpu.memory_space<hbm>>, %arg4: memref<10112x128xf32, #tpu.memory_space<hbm>>, %arg5: memref<2x10112x128xf32, #tpu.memory_space<hbm>>, %arg6: memref<40x128xi32, #tpu.memory_space<vmem>>, %arg7: memref<128x128xf32, #tpu.memory_space<vmem>>, %arg8: memref<10112x128xf32, #tpu.memory_space<vmem_shared>>, %arg9: memref<!tpu.dma_semaphore, #tpu.memory_space<semaphore_mem>>) attributes {dimension_semantics = [#tpu.dimension_semantics<core_parallel>, #tpu.dimension_semantics<subcore_parallel>], iteration_bounds = array<i64: 2, 16>, scalar_prefetch = 0 : i64, scratch_operands = 4 : i64, tpu.core_type = #tpu.core_type<sc_vector_subcore>, window_params = [{transform_indices = #map}, {transform_indices = #map}, {transform_indices = #map}, {transform_indices = #map1}]} {
    %mul3A = arith.constant 16 : i32
    %mul3A_0 = arith.muli %arg0, %mul3A : i32
    %add3A = arith.addi %mul3A_0, %arg1 : i32
    %mul3A_1 = arith.constant 632 : i32
    %mul3A_2 = arith.muli %arg1, %mul3A_1 : i32
    "tpu.region"() ({
      %run_scoped3A = tpu.sem_alloc : memref<!tpu.dma_semaphore, #tpu.memory_space<semaphore_mem>>
      %dma_start3A = arith.constant 0 : i32
      %dma_start3A_17 = tpu.memref_slice %arg8[%mul3A_2, %dma_start3A] : memref<10112x128xf32, #tpu.memory_space<vmem_shared>> -> memref<632x128xf32, #tpu.memory_space<vmem_shared>>
      %dma_start3A_18 = arith.constant 0 : i32
      %dma_start3A_19 = tpu.memref_slice %arg4[%mul3A_2, %dma_start3A_18] : memref<10112x128xf32, #tpu.memory_space<hbm>> -> memref<632x128xf32, #tpu.memory_space<hbm>>
      tpu.enqueue_dma source(%dma_start3A_19 : memref<632x128xf32, #tpu.memory_space<hbm>>) target(%dma_start3A_17 : memref<632x128xf32, #tpu.memory_space<vmem_shared>>) target_semaphore(%run_scoped3A : memref<!tpu.dma_semaphore, #tpu.memory_space<semaphore_mem>>)
      %dma_wait3A = arith.constant 0 : i32
      %dma_wait3A_20 = tpu.memref_slice %arg8[%mul3A_2, %dma_wait3A] : memref<10112x128xf32, #tpu.memory_space<vmem_shared>> -> memref<632x128xf32, #tpu.memory_space<vmem_shared>>
      %dma_wait3A_21 = arith.constant 0 : i32
      %dma_wait3A_22 = tpu.memref_slice %arg4[%mul3A_2, %dma_wait3A_21] : memref<10112x128xf32, #tpu.memory_space<hbm>> -> memref<632x128xf32, #tpu.memory_space<hbm>>
      tpu.wait_dma2 semaphore(%run_scoped3A : memref<!tpu.dma_semaphore, #tpu.memory_space<semaphore_mem>>) src(%dma_wait3A_22 : memref<632x128xf32, #tpu.memory_space<hbm>>) dst(%dma_wait3A_20 : memref<632x128xf32, #tpu.memory_space<vmem_shared>>)
      tpu.yield
    }) : () -> ()
    %mul3A_3 = arith.constant 40 : i32
    %mul3A_4 = arith.muli %add3A, %mul3A_3 : i32
    "tpu.region"() ({
      %run_scoped3A = tpu.sem_alloc : memref<!tpu.dma_semaphore, #tpu.memory_space<semaphore_mem>>
      %dma_start3A = arith.constant 0 : i32
      %dma_start3A_17 = tpu.memref_slice %arg2[%mul3A_4, %dma_start3A] : memref<1344x128xi32, #tpu.memory_space<hbm>> -> memref<40x128xi32, #tpu.memory_space<hbm>>
      %dma_start3A_18 = arith.constant 0 : i32
      %dma_start3A_19 = tpu.memref_slice %arg2[%mul3A_4, %dma_start3A_18] : memref<1344x128xi32, #tpu.memory_space<hbm>> -> memref<40x128xi32, #tpu.memory_space<hbm>>
      tpu.enqueue_dma source(%dma_start3A_19 : memref<40x128xi32, #tpu.memory_space<hbm>>) target(%arg6 : memref<40x128xi32, #tpu.memory_space<vmem>>) target_semaphore(%run_scoped3A : memref<!tpu.dma_semaphore, #tpu.memory_space<semaphore_mem>>)
      %dma_wait3A = arith.constant 0 : i32
      %dma_wait3A_20 = tpu.memref_slice %arg2[%mul3A_4, %dma_wait3A] : memref<1344x128xi32, #tpu.memory_space<hbm>> -> memref<40x128xi32, #tpu.memory_space<hbm>>
      %dma_wait3A_21 = arith.constant 0 : i32
      %dma_wait3A_22 = tpu.memref_slice %arg2[%mul3A_4, %dma_wait3A_21] : memref<1344x128xi32, #tpu.memory_space<hbm>> -> memref<40x128xi32, #tpu.memory_space<hbm>>
      tpu.wait_dma2 semaphore(%run_scoped3A : memref<!tpu.dma_semaphore, #tpu.memory_space<semaphore_mem>>) src(%dma_wait3A_22 : memref<40x128xi32, #tpu.memory_space<hbm>>) dst(%arg6 : memref<40x128xi32, #tpu.memory_space<vmem>>)
      tpu.yield
    }) : () -> ()
    "tpu.region"() ({
      %run_scoped3A = tpu.sem_alloc : memref<!tpu.dma_semaphore, #tpu.memory_space<semaphore_mem>>
      tpu.enqueue_dma source(%arg3 : memref<128x128xf32, #tpu.memory_space<hbm>>) target(%arg7 : memref<128x128xf32, #tpu.memory_space<vmem>>) target_semaphore(%run_scoped3A : memref<!tpu.dma_semaphore, #tpu.memory_space<semaphore_mem>>)
      tpu.wait_dma2 semaphore(%run_scoped3A : memref<!tpu.dma_semaphore, #tpu.memory_space<semaphore_mem>>) src(%arg3 : memref<128x128xf32, #tpu.memory_space<hbm>>) dst(%arg7 : memref<128x128xf32, #tpu.memory_space<vmem>>)
      tpu.yield
    }) : () -> ()
    %barrier3A = arith.constant 0 : index
    tpu.barrier barrier_id(%barrier3A)
    %scan3A = arith.constant 0 : i32
    %scan3A_5 = arith.constant 0 : i32
    %scan3A_6 = arith.constant 40 : i32
    %scan3A_7 = arith.addi %scan3A_5, %scan3A_6 : i32
    %scan3A_8 = arith.constant 1 : i32
    scf.for %scan3A_17 = %scan3A_5 to %scan3A_7 step %scan3A_8  : i32 {
      %dma_start3A = arith.constant 0 : i32
      %dma_start3A_18 = tpu.memref_slice %arg6[%scan3A_17, %dma_start3A] : memref<40x128xi32, #tpu.memory_space<vmem>> -> memref<1x128xi32, #tpu.memory_space<vmem>>
      %dma_start3A_19 = tpu.memref_squeeze %dma_start3A_18 : memref<1x128xi32, #tpu.memory_space<vmem>> -> memref<128xi32, #tpu.memory_space<vmem>>
      %dma_start3A_20 = arith.constant 0 : i32
      %dma_start3A_21 = arith.constant 0 : i32
      %dma_start3A_22 = tpu.memref_slice %arg8[%dma_start3A_20, %dma_start3A_21] : memref<10112x128xf32, #tpu.memory_space<vmem_shared>> -> memref<10112x128xf32, #tpu.memory_space<vmem_shared>>
      tpu.enqueue_indirect_dma source(%arg7 : memref<128x128xf32, #tpu.memory_space<vmem>>) target(%dma_start3A_22 : memref<10112x128xf32, #tpu.memory_space<vmem_shared>>) offsets(%dma_start3A_19 : memref<128xi32, #tpu.memory_space<vmem>>) semaphore(%arg9 : memref<!tpu.dma_semaphore, #tpu.memory_space<semaphore_mem>>) {add = true}
    }
    %scan3A_9 = arith.constant 40 : i32
    %scan3A_10 = arith.constant 0 : i32
    %scan3A_11 = arith.constant 0 : i32
    %scan3A_12 = arith.constant 40 : i32
    %scan3A_13 = arith.addi %scan3A_11, %scan3A_12 : i32
    %scan3A_14 = arith.constant 1 : i32
    scf.for %scan3A_17 = %scan3A_11 to %scan3A_13 step %scan3A_14  : i32 {
      %dma_wait3A = arith.constant 0 : i32
      %dma_wait3A_18 = arith.constant 0 : i32
      %dma_wait3A_19 = tpu.memref_slice %arg6[%dma_wait3A, %dma_wait3A_18] : memref<40x128xi32, #tpu.memory_space<vmem>> -> memref<1x128xi32, #tpu.memory_space<vmem>>
      %dma_wait3A_20 = tpu.memref_squeeze %dma_wait3A_19 : memref<1x128xi32, #tpu.memory_space<vmem>> -> memref<128xi32, #tpu.memory_space<vmem>>
      %dma_wait3A_21 = arith.constant 0 : i32
      %dma_wait3A_22 = arith.constant 0 : i32
      %dma_wait3A_23 = tpu.memref_slice %arg8[%dma_wait3A_21, %dma_wait3A_22] : memref<10112x128xf32, #tpu.memory_space<vmem_shared>> -> memref<10112x128xf32, #tpu.memory_space<vmem_shared>>
      tpu.wait_indirect_dma semaphore(%arg9 : memref<!tpu.dma_semaphore, #tpu.memory_space<semaphore_mem>>) src(%arg7 : memref<128x128xf32, #tpu.memory_space<vmem>>) dst(%dma_wait3A_23 : memref<10112x128xf32, #tpu.memory_space<vmem_shared>>)
    }
    %scan3A_15 = arith.constant 40 : i32
    %barrier3A_16 = arith.constant 0 : index
    tpu.barrier barrier_id(%barrier3A_16)
    "tpu.region"() ({
      %run_scoped3A = tpu.sem_alloc : memref<!tpu.dma_semaphore, #tpu.memory_space<semaphore_mem>>
      %dma_start3A = arith.constant 0 : i32
      %dma_start3A_17 = tpu.memref_slice %arg5[%arg0, %mul3A_2, %dma_start3A] : memref<2x10112x128xf32, #tpu.memory_space<hbm>> -> memref<1x632x128xf32, #tpu.memory_space<hbm>>
      %dma_start3A_18 = tpu.memref_squeeze %dma_start3A_17 : memref<1x632x128xf32, #tpu.memory_space<hbm>> -> memref<632x128xf32, #tpu.memory_space<hbm>>
      %dma_start3A_19 = arith.constant 0 : i32
      %dma_start3A_20 = tpu.memref_slice %arg8[%mul3A_2, %dma_start3A_19] : memref<10112x128xf32, #tpu.memory_space<vmem_shared>> -> memref<632x128xf32, #tpu.memory_space<vmem_shared>>
      tpu.enqueue_dma source(%dma_start3A_20 : memref<632x128xf32, #tpu.memory_space<vmem_shared>>) target(%dma_start3A_18 : memref<632x128xf32, #tpu.memory_space<hbm>>) target_semaphore(%run_scoped3A : memref<!tpu.dma_semaphore, #tpu.memory_space<semaphore_mem>>)
      %dma_wait3A = arith.constant 0 : i32
      %dma_wait3A_21 = tpu.memref_slice %arg5[%arg0, %mul3A_2, %dma_wait3A] : memref<2x10112x128xf32, #tpu.memory_space<hbm>> -> memref<1x632x128xf32, #tpu.memory_space<hbm>>
      %dma_wait3A_22 = tpu.memref_squeeze %dma_wait3A_21 : memref<1x632x128xf32, #tpu.memory_space<hbm>> -> memref<632x128xf32, #tpu.memory_space<hbm>>
      %dma_wait3A_23 = arith.constant 0 : i32
      %dma_wait3A_24 = tpu.memref_slice %arg8[%mul3A_2, %dma_wait3A_23] : memref<10112x128xf32, #tpu.memory_space<vmem_shared>> -> memref<632x128xf32, #tpu.memory_space<vmem_shared>>
      tpu.wait_dma2 semaphore(%run_scoped3A : memref<!tpu.dma_semaphore, #tpu.memory_space<semaphore_mem>>) src(%dma_wait3A_24 : memref<632x128xf32, #tpu.memory_space<vmem_shared>>) dst(%dma_wait3A_22 : memref<632x128xf32, #tpu.memory_space<hbm>>)
      tpu.yield
    }) : () -> ()
    return
  }
}

#map = affine_map<(d0, d1) -> (0, 0)>
#map1 = affine_map<(d0, d1) -> (0, 0, 0)>
module attributes {stable_mosaic.version = 14 : i64} {
  func.func @k(%arg0: i32, %arg1: i32, %arg2: memref<10112x128xf32, #tpu.memory_space<hbm>>, %arg3: memref<1344x128xi32, #tpu.memory_space<hbm>>, %arg4: memref<1344x128xi32, #tpu.memory_space<hbm>>, %arg5: memref<10112x128xf32, #tpu.memory_space<hbm>>, %arg6: memref<2x10112x128xf32, #tpu.memory_space<hbm>>, %arg7: memref<64x128xi32, #tpu.memory_space<vmem>>, %arg8: memref<64x128xi32, #tpu.memory_space<vmem>>, %arg9: memref<128x128xf32, #tpu.memory_space<vmem>>, %arg10: memref<128x128xf32, #tpu.memory_space<vmem>>, %arg11: memref<10112x128xf32, #tpu.memory_space<vmem_shared>>, %arg12: memref<!tpu.dma_semaphore, #tpu.memory_space<semaphore_mem>>, %arg13: memref<!tpu.dma_semaphore, #tpu.memory_space<semaphore_mem>>) attributes {dimension_semantics = [#tpu.dimension_semantics<core_parallel>, #tpu.dimension_semantics<subcore_parallel>], iteration_bounds = array<i64: 2, 16>, scalar_prefetch = 0 : i64, scratch_operands = 7 : i64, tpu.core_type = #tpu.core_type<sc_vector_subcore>, window_params = [{transform_indices = #map}, {transform_indices = #map}, {transform_indices = #map}, {transform_indices = #map}, {transform_indices = #map1}]} {
    %mul3A = arith.constant 632 : i32
    %mul3A_0 = arith.muli %arg1, %mul3A : i32
    %mul3A_1 = arith.constant 80 : i32
    %mul3A_2 = arith.muli %arg1, %mul3A_1 : i32
    %mul3A_3 = arith.constant 56 : i32
    %mul3A_4 = arith.muli %arg0, %mul3A_3 : i32
    %add3A = arith.addi %mul3A_2, %mul3A_4 : i32
    %mul3A_5 = arith.constant 6 : i32
    %mul3A_6 = arith.muli %arg0, %mul3A_5 : i32
    %mul3A_7 = arith.constant -44 : i32
    %mul3A_8 = arith.muli %arg0, %mul3A_7 : i32
    %add3A_9 = arith.constant 62 : i32
    %add3A_10 = arith.addi %add3A_9, %mul3A_8 : i32
    "tpu.region"() ({
      %run_scoped3A = tpu.sem_alloc : memref<!tpu.dma_semaphore, #tpu.memory_space<semaphore_mem>>
      %dma_start3A_50 = arith.constant 0 : i32
      %dma_start3A_51 = tpu.memref_slice %arg11[%mul3A_0, %dma_start3A_50] : memref<10112x128xf32, #tpu.memory_space<vmem_shared>> -> memref<632x128xf32, #tpu.memory_space<vmem_shared>>
      %dma_start3A_52 = arith.constant 0 : i32
      %dma_start3A_53 = tpu.memref_slice %arg5[%mul3A_0, %dma_start3A_52] : memref<10112x128xf32, #tpu.memory_space<hbm>> -> memref<632x128xf32, #tpu.memory_space<hbm>>
      tpu.enqueue_dma source(%dma_start3A_53 : memref<632x128xf32, #tpu.memory_space<hbm>>) target(%dma_start3A_51 : memref<632x128xf32, #tpu.memory_space<vmem_shared>>) target_semaphore(%run_scoped3A : memref<!tpu.dma_semaphore, #tpu.memory_space<semaphore_mem>>)
      %dma_wait3A_54 = arith.constant 0 : i32
      %dma_wait3A_55 = tpu.memref_slice %arg11[%mul3A_0, %dma_wait3A_54] : memref<10112x128xf32, #tpu.memory_space<vmem_shared>> -> memref<632x128xf32, #tpu.memory_space<vmem_shared>>
      %dma_wait3A_56 = arith.constant 0 : i32
      %dma_wait3A_57 = tpu.memref_slice %arg5[%mul3A_0, %dma_wait3A_56] : memref<10112x128xf32, #tpu.memory_space<hbm>> -> memref<632x128xf32, #tpu.memory_space<hbm>>
      tpu.wait_dma2 semaphore(%run_scoped3A : memref<!tpu.dma_semaphore, #tpu.memory_space<semaphore_mem>>) src(%dma_wait3A_57 : memref<632x128xf32, #tpu.memory_space<hbm>>) dst(%dma_wait3A_55 : memref<632x128xf32, #tpu.memory_space<vmem_shared>>)
      tpu.yield
    }) : () -> ()
    "tpu.region"() ({
      %run_scoped3A = tpu.sem_alloc : memref<!tpu.dma_semaphore, #tpu.memory_space<semaphore_mem>>
      %dma_start3A_50 = arith.constant 0 : i32
      %dma_start3A_51 = tpu.memref_slice %arg3[%add3A, %dma_start3A_50] : memref<1344x128xi32, #tpu.memory_space<hbm>> -> memref<64x128xi32, #tpu.memory_space<hbm>>
      %dma_start3A_52 = arith.constant 0 : i32
      %dma_start3A_53 = tpu.memref_slice %arg3[%add3A, %dma_start3A_52] : memref<1344x128xi32, #tpu.memory_space<hbm>> -> memref<64x128xi32, #tpu.memory_space<hbm>>
      tpu.enqueue_dma source(%dma_start3A_53 : memref<64x128xi32, #tpu.memory_space<hbm>>) target(%arg7 : memref<64x128xi32, #tpu.memory_space<vmem>>) target_semaphore(%run_scoped3A : memref<!tpu.dma_semaphore, #tpu.memory_space<semaphore_mem>>)
      %dma_wait3A_54 = arith.constant 0 : i32
      %dma_wait3A_55 = tpu.memref_slice %arg3[%add3A, %dma_wait3A_54] : memref<1344x128xi32, #tpu.memory_space<hbm>> -> memref<64x128xi32, #tpu.memory_space<hbm>>
      %dma_wait3A_56 = arith.constant 0 : i32
      %dma_wait3A_57 = tpu.memref_slice %arg3[%add3A, %dma_wait3A_56] : memref<1344x128xi32, #tpu.memory_space<hbm>> -> memref<64x128xi32, #tpu.memory_space<hbm>>
      tpu.wait_dma2 semaphore(%run_scoped3A : memref<!tpu.dma_semaphore, #tpu.memory_space<semaphore_mem>>) src(%dma_wait3A_57 : memref<64x128xi32, #tpu.memory_space<hbm>>) dst(%arg7 : memref<64x128xi32, #tpu.memory_space<vmem>>)
      tpu.yield
    }) : () -> ()
    "tpu.region"() ({
      %run_scoped3A = tpu.sem_alloc : memref<!tpu.dma_semaphore, #tpu.memory_space<semaphore_mem>>
      %dma_start3A_50 = arith.constant 0 : i32
      %dma_start3A_51 = tpu.memref_slice %arg4[%add3A, %dma_start3A_50] : memref<1344x128xi32, #tpu.memory_space<hbm>> -> memref<64x128xi32, #tpu.memory_space<hbm>>
      %dma_start3A_52 = arith.constant 0 : i32
      %dma_start3A_53 = tpu.memref_slice %arg4[%add3A, %dma_start3A_52] : memref<1344x128xi32, #tpu.memory_space<hbm>> -> memref<64x128xi32, #tpu.memory_space<hbm>>
      tpu.enqueue_dma source(%dma_start3A_53 : memref<64x128xi32, #tpu.memory_space<hbm>>) target(%arg8 : memref<64x128xi32, #tpu.memory_space<vmem>>) target_semaphore(%run_scoped3A : memref<!tpu.dma_semaphore, #tpu.memory_space<semaphore_mem>>)
      %dma_wait3A_54 = arith.constant 0 : i32
      %dma_wait3A_55 = tpu.memref_slice %arg4[%add3A, %dma_wait3A_54] : memref<1344x128xi32, #tpu.memory_space<hbm>> -> memref<64x128xi32, #tpu.memory_space<hbm>>
      %dma_wait3A_56 = arith.constant 0 : i32
      %dma_wait3A_57 = tpu.memref_slice %arg4[%add3A, %dma_wait3A_56] : memref<1344x128xi32, #tpu.memory_space<hbm>> -> memref<64x128xi32, #tpu.memory_space<hbm>>
      tpu.wait_dma2 semaphore(%run_scoped3A : memref<!tpu.dma_semaphore, #tpu.memory_space<semaphore_mem>>) src(%dma_wait3A_57 : memref<64x128xi32, #tpu.memory_space<hbm>>) dst(%arg8 : memref<64x128xi32, #tpu.memory_space<vmem>>)
      tpu.yield
    }) : () -> ()
    %barrier3A = arith.constant 0 : index
    tpu.barrier barrier_id(%barrier3A)
    %add3A_11 = arith.constant 0 : i32
    %add3A_12 = arith.addi %mul3A_6, %add3A_11 : i32
    %dma_start3A = arith.constant 0 : i32
    %dma_start3A_13 = tpu.memref_slice %arg7[%add3A_12, %dma_start3A] : memref<64x128xi32, #tpu.memory_space<vmem>> -> memref<1x128xi32, #tpu.memory_space<vmem>>
    %dma_start3A_14 = tpu.memref_squeeze %dma_start3A_13 : memref<1x128xi32, #tpu.memory_space<vmem>> -> memref<128xi32, #tpu.memory_space<vmem>>
    %dma_start3A_15 = arith.constant 0 : i32
    %dma_start3A_16 = arith.constant 0 : i32
    %dma_start3A_17 = tpu.memref_slice %arg2[%dma_start3A_15, %dma_start3A_16] : memref<10112x128xf32, #tpu.memory_space<hbm>> -> memref<10112x128xf32, #tpu.memory_space<hbm>>
    tpu.enqueue_indirect_dma source(%dma_start3A_17 : memref<10112x128xf32, #tpu.memory_space<hbm>>) target(%arg9 : memref<128x128xf32, #tpu.memory_space<vmem>>) offsets(%dma_start3A_14 : memref<128xi32, #tpu.memory_space<vmem>>) semaphore(%arg12 : memref<!tpu.dma_semaphore, #tpu.memory_space<semaphore_mem>>)
    %jit3A = arith.constant 2 : i32
    %div3A = arith.divsi %add3A_10, %jit3A : i32
    %sign3A = arith.constant 0 : i32
    %sign3A_18 = arith.cmpi sgt, %add3A_10, %sign3A : i32
    %sign3A_19 = arith.extui %sign3A_18 : i1 to i32
    %sign3A_20 = arith.constant 0 : i32
    %sign3A_21 = arith.cmpi slt, %add3A_10, %sign3A_20 : i32
    %sign3A_22 = arith.extui %sign3A_21 : i1 to i32
    %sign3A_23 = arith.subi %sign3A_19, %sign3A_22 : i32
    %sign3A_24 = arith.constant 0 : i32
    %sign3A_25 = arith.cmpi sgt, %jit3A, %sign3A_24 : i32
    %sign3A_26 = arith.extui %sign3A_25 : i1 to i32
    %sign3A_27 = arith.constant 0 : i32
    %sign3A_28 = arith.cmpi slt, %jit3A, %sign3A_27 : i32
    %sign3A_29 = arith.extui %sign3A_28 : i1 to i32
    %sign3A_30 = arith.subi %sign3A_26, %sign3A_29 : i32
    %ne3A = arith.cmpi ne, %sign3A_23, %sign3A_30 : i32
    %rem3A = arith.remsi %add3A_10, %jit3A : i32
    %ne3A_31 = arith.constant 0 : i32
    %ne3A_32 = arith.cmpi ne, %rem3A, %ne3A_31 : i32
    %and3A = arith.andi %ne3A, %ne3A_32 : i1
    %sub3A = arith.constant 1 : i32
    %sub3A_33 = arith.subi %div3A, %sub3A : i32
    %select_n3A = arith.select %and3A, %sub3A_33, %div3A : i32
    %while3A = arith.constant 0 : i32
    %while3A_34 = arith.constant 0 : i32
    %while3A_35 = arith.subi %select_n3A, %while3A_34 : i32
    %while3A_36 = arith.addi %while3A_34, %while3A_35 : i32
    %while3A_37 = arith.constant 1 : i32
    %while3A_38 = arith.divsi %while3A_35, %while3A_37 : i32
    %while3A_39 = arith.muli %while3A_38, %while3A_37 : i32
    %while3A_40 = arith.addi %while3A_34, %while3A_39 : i32
    %while3A_41 = arith.constant 1 : i32
    scf.for %while3A_50 = %while3A_34 to %while3A_40 step %while3A_41  : i32 {
      %mul3A_51 = arith.constant 2 : i32
      %mul3A_52 = arith.muli %mul3A_51, %while3A_50 : i32
      %add3A_53 = arith.constant 1 : i32
      %add3A_54 = arith.addi %mul3A_52, %add3A_53 : i32
      %add3A_55 = arith.addi %mul3A_6, %add3A_54 : i32
      %dma_start3A_56 = arith.constant 0 : i32
      %dma_start3A_57 = tpu.memref_slice %arg7[%add3A_55, %dma_start3A_56] : memref<64x128xi32, #tpu.memory_space<vmem>> -> memref<1x128xi32, #tpu.memory_space<vmem>>
      %dma_start3A_58 = tpu.memref_squeeze %dma_start3A_57 : memref<1x128xi32, #tpu.memory_space<vmem>> -> memref<128xi32, #tpu.memory_space<vmem>>
      %dma_start3A_59 = arith.constant 0 : i32
      %dma_start3A_60 = arith.constant 0 : i32
      %dma_start3A_61 = tpu.memref_slice %arg2[%dma_start3A_59, %dma_start3A_60] : memref<10112x128xf32, #tpu.memory_space<hbm>> -> memref<10112x128xf32, #tpu.memory_space<hbm>>
      tpu.enqueue_indirect_dma source(%dma_start3A_61 : memref<10112x128xf32, #tpu.memory_space<hbm>>) target(%arg10 : memref<128x128xf32, #tpu.memory_space<vmem>>) offsets(%dma_start3A_58 : memref<128xi32, #tpu.memory_space<vmem>>) semaphore(%arg13 : memref<!tpu.dma_semaphore, #tpu.memory_space<semaphore_mem>>)
      %dma_wait3A_62 = arith.constant 0 : i32
      %dma_wait3A_63 = arith.constant 0 : i32
      %dma_wait3A_64 = tpu.memref_slice %arg7[%dma_wait3A_62, %dma_wait3A_63] : memref<64x128xi32, #tpu.memory_space<vmem>> -> memref<1x128xi32, #tpu.memory_space<vmem>>
      %dma_wait3A_65 = tpu.memref_squeeze %dma_wait3A_64 : memref<1x128xi32, #tpu.memory_space<vmem>> -> memref<128xi32, #tpu.memory_space<vmem>>
      %dma_wait3A_66 = arith.constant 0 : i32
      %dma_wait3A_67 = arith.constant 0 : i32
      %dma_wait3A_68 = tpu.memref_slice %arg2[%dma_wait3A_66, %dma_wait3A_67] : memref<10112x128xf32, #tpu.memory_space<hbm>> -> memref<10112x128xf32, #tpu.memory_space<hbm>>
      tpu.wait_indirect_dma semaphore(%arg12 : memref<!tpu.dma_semaphore, #tpu.memory_space<semaphore_mem>>) src(%dma_wait3A_68 : memref<10112x128xf32, #tpu.memory_space<hbm>>) dst(%arg9 : memref<128x128xf32, #tpu.memory_space<vmem>>)
      %add3A_69 = arith.addi %mul3A_6, %mul3A_52 : i32
      "tpu.region"() ({
        %run_scoped3A = tpu.sem_alloc : memref<!tpu.dma_semaphore, #tpu.memory_space<semaphore_mem>>
        %dma_start3A_91 = arith.constant 0 : i32
        %dma_start3A_92 = tpu.memref_slice %arg8[%add3A_69, %dma_start3A_91] : memref<64x128xi32, #tpu.memory_space<vmem>> -> memref<1x128xi32, #tpu.memory_space<vmem>>
        %dma_start3A_93 = tpu.memref_squeeze %dma_start3A_92 : memref<1x128xi32, #tpu.memory_space<vmem>> -> memref<128xi32, #tpu.memory_space<vmem>>
        %dma_start3A_94 = arith.constant 0 : i32
        %dma_start3A_95 = arith.constant 0 : i32
        %dma_start3A_96 = tpu.memref_slice %arg11[%dma_start3A_94, %dma_start3A_95] : memref<10112x128xf32, #tpu.memory_space<vmem_shared>> -> memref<10112x128xf32, #tpu.memory_space<vmem_shared>>
        tpu.enqueue_indirect_dma source(%arg9 : memref<128x128xf32, #tpu.memory_space<vmem>>) target(%dma_start3A_96 : memref<10112x128xf32, #tpu.memory_space<vmem_shared>>) offsets(%dma_start3A_93 : memref<128xi32, #tpu.memory_space<vmem>>) semaphore(%run_scoped3A : memref<!tpu.dma_semaphore, #tpu.memory_space<semaphore_mem>>) {add = true}
        %dma_wait3A_97 = arith.constant 0 : i32
        %dma_wait3A_98 = tpu.memref_slice %arg8[%add3A_69, %dma_wait3A_97] : memref<64x128xi32, #tpu.memory_space<vmem>> -> memref<1x128xi32, #tpu.memory_space<vmem>>
        %dma_wait3A_99 = tpu.memref_squeeze %dma_wait3A_98 : memref<1x128xi32, #tpu.memory_space<vmem>> -> memref<128xi32, #tpu.memory_space<vmem>>
        %dma_wait3A_100 = arith.constant 0 : i32
        %dma_wait3A_101 = arith.constant 0 : i32
        %dma_wait3A_102 = tpu.memref_slice %arg11[%dma_wait3A_100, %dma_wait3A_101] : memref<10112x128xf32, #tpu.memory_space<vmem_shared>> -> memref<10112x128xf32, #tpu.memory_space<vmem_shared>>
        tpu.wait_indirect_dma semaphore(%run_scoped3A : memref<!tpu.dma_semaphore, #tpu.memory_space<semaphore_mem>>) src(%arg9 : memref<128x128xf32, #tpu.memory_space<vmem>>) dst(%dma_wait3A_102 : memref<10112x128xf32, #tpu.memory_space<vmem_shared>>)
        tpu.yield
      }) : () -> ()
      %add3A_70 = arith.constant 2 : i32
      %add3A_71 = arith.addi %mul3A_52, %add3A_70 : i32
      %sub3A_72 = arith.constant 2 : i32
      %sub3A_73 = arith.subi %add3A_10, %sub3A_72 : i32
      %min3A = arith.minsi %add3A_71, %sub3A_73 : i32
      %add3A_74 = arith.addi %mul3A_6, %min3A : i32
      %dma_start3A_75 = arith.constant 0 : i32
      %dma_start3A_76 = tpu.memref_slice %arg7[%add3A_74, %dma_start3A_75] : memref<64x128xi32, #tpu.memory_space<vmem>> -> memref<1x128xi32, #tpu.memory_space<vmem>>
      %dma_start3A_77 = tpu.memref_squeeze %dma_start3A_76 : memref<1x128xi32, #tpu.memory_space<vmem>> -> memref<128xi32, #tpu.memory_space<vmem>>
      %dma_start3A_78 = arith.constant 0 : i32
      %dma_start3A_79 = arith.constant 0 : i32
      %dma_start3A_80 = tpu.memref_slice %arg2[%dma_start3A_78, %dma_start3A_79] : memref<10112x128xf32, #tpu.memory_space<hbm>> -> memref<10112x128xf32, #tpu.memory_space<hbm>>
      tpu.enqueue_indirect_dma source(%dma_start3A_80 : memref<10112x128xf32, #tpu.memory_space<hbm>>) target(%arg9 : memref<128x128xf32, #tpu.memory_space<vmem>>) offsets(%dma_start3A_77 : memref<128xi32, #tpu.memory_space<vmem>>) semaphore(%arg12 : memref<!tpu.dma_semaphore, #tpu.memory_space<semaphore_mem>>)
      %dma_wait3A_81 = arith.constant 0 : i32
      %dma_wait3A_82 = arith.constant 0 : i32
      %dma_wait3A_83 = tpu.memref_slice %arg7[%dma_wait3A_81, %dma_wait3A_82] : memref<64x128xi32, #tpu.memory_space<vmem>> -> memref<1x128xi32, #tpu.memory_space<vmem>>
      %dma_wait3A_84 = tpu.memref_squeeze %dma_wait3A_83 : memref<1x128xi32, #tpu.memory_space<vmem>> -> memref<128xi32, #tpu.memory_space<vmem>>
      %dma_wait3A_85 = arith.constant 0 : i32
      %dma_wait3A_86 = arith.constant 0 : i32
      %dma_wait3A_87 = tpu.memref_slice %arg2[%dma_wait3A_85, %dma_wait3A_86] : memref<10112x128xf32, #tpu.memory_space<hbm>> -> memref<10112x128xf32, #tpu.memory_space<hbm>>
      tpu.wait_indirect_dma semaphore(%arg13 : memref<!tpu.dma_semaphore, #tpu.memory_space<semaphore_mem>>) src(%dma_wait3A_87 : memref<10112x128xf32, #tpu.memory_space<hbm>>) dst(%arg10 : memref<128x128xf32, #tpu.memory_space<vmem>>)
      %add3A_88 = arith.constant 1 : i32
      %add3A_89 = arith.addi %mul3A_52, %add3A_88 : i32
      %add3A_90 = arith.addi %mul3A_6, %add3A_89 : i32
      "tpu.region"() ({
        %run_scoped3A = tpu.sem_alloc : memref<!tpu.dma_semaphore, #tpu.memory_space<semaphore_mem>>
        %dma_start3A_91 = arith.constant 0 : i32
        %dma_start3A_92 = tpu.memref_slice %arg8[%add3A_90, %dma_start3A_91] : memref<64x128xi32, #tpu.memory_space<vmem>> -> memref<1x128xi32, #tpu.memory_space<vmem>>
        %dma_start3A_93 = tpu.memref_squeeze %dma_start3A_92 : memref<1x128xi32, #tpu.memory_space<vmem>> -> memref<128xi32, #tpu.memory_space<vmem>>
        %dma_start3A_94 = arith.constant 0 : i32
        %dma_start3A_95 = arith.constant 0 : i32
        %dma_start3A_96 = tpu.memref_slice %arg11[%dma_start3A_94, %dma_start3A_95] : memref<10112x128xf32, #tpu.memory_space<vmem_shared>> -> memref<10112x128xf32, #tpu.memory_space<vmem_shared>>
        tpu.enqueue_indirect_dma source(%arg10 : memref<128x128xf32, #tpu.memory_space<vmem>>) target(%dma_start3A_96 : memref<10112x128xf32, #tpu.memory_space<vmem_shared>>) offsets(%dma_start3A_93 : memref<128xi32, #tpu.memory_space<vmem>>) semaphore(%run_scoped3A : memref<!tpu.dma_semaphore, #tpu.memory_space<semaphore_mem>>) {add = true}
        %dma_wait3A_97 = arith.constant 0 : i32
        %dma_wait3A_98 = tpu.memref_slice %arg8[%add3A_90, %dma_wait3A_97] : memref<64x128xi32, #tpu.memory_space<vmem>> -> memref<1x128xi32, #tpu.memory_space<vmem>>
        %dma_wait3A_99 = tpu.memref_squeeze %dma_wait3A_98 : memref<1x128xi32, #tpu.memory_space<vmem>> -> memref<128xi32, #tpu.memory_space<vmem>>
        %dma_wait3A_100 = arith.constant 0 : i32
        %dma_wait3A_101 = arith.constant 0 : i32
        %dma_wait3A_102 = tpu.memref_slice %arg11[%dma_wait3A_100, %dma_wait3A_101] : memref<10112x128xf32, #tpu.memory_space<vmem_shared>> -> memref<10112x128xf32, #tpu.memory_space<vmem_shared>>
        tpu.wait_indirect_dma semaphore(%run_scoped3A : memref<!tpu.dma_semaphore, #tpu.memory_space<semaphore_mem>>) src(%arg10 : memref<128x128xf32, #tpu.memory_space<vmem>>) dst(%dma_wait3A_102 : memref<10112x128xf32, #tpu.memory_space<vmem_shared>>)
        tpu.yield
      }) : () -> ()
    }
    %while3A_42 = arith.constant 1 : i32
    scf.for %while3A_50 = %while3A_40 to %while3A_36 step %while3A_42  : i32 {
      %mul3A_51 = arith.constant 2 : i32
      %mul3A_52 = arith.muli %mul3A_51, %while3A_50 : i32
      %add3A_53 = arith.constant 1 : i32
      %add3A_54 = arith.addi %mul3A_52, %add3A_53 : i32
      %add3A_55 = arith.addi %mul3A_6, %add3A_54 : i32
      %dma_start3A_56 = arith.constant 0 : i32
      %dma_start3A_57 = tpu.memref_slice %arg7[%add3A_55, %dma_start3A_56] : memref<64x128xi32, #tpu.memory_space<vmem>> -> memref<1x128xi32, #tpu.memory_space<vmem>>
      %dma_start3A_58 = tpu.memref_squeeze %dma_start3A_57 : memref<1x128xi32, #tpu.memory_space<vmem>> -> memref<128xi32, #tpu.memory_space<vmem>>
      %dma_start3A_59 = arith.constant 0 : i32
      %dma_start3A_60 = arith.constant 0 : i32
      %dma_start3A_61 = tpu.memref_slice %arg2[%dma_start3A_59, %dma_start3A_60] : memref<10112x128xf32, #tpu.memory_space<hbm>> -> memref<10112x128xf32, #tpu.memory_space<hbm>>
      tpu.enqueue_indirect_dma source(%dma_start3A_61 : memref<10112x128xf32, #tpu.memory_space<hbm>>) target(%arg10 : memref<128x128xf32, #tpu.memory_space<vmem>>) offsets(%dma_start3A_58 : memref<128xi32, #tpu.memory_space<vmem>>) semaphore(%arg13 : memref<!tpu.dma_semaphore, #tpu.memory_space<semaphore_mem>>)
      %dma_wait3A_62 = arith.constant 0 : i32
      %dma_wait3A_63 = arith.constant 0 : i32
      %dma_wait3A_64 = tpu.memref_slice %arg7[%dma_wait3A_62, %dma_wait3A_63] : memref<64x128xi32, #tpu.memory_space<vmem>> -> memref<1x128xi32, #tpu.memory_space<vmem>>
      %dma_wait3A_65 = tpu.memref_squeeze %dma_wait3A_64 : memref<1x128xi32, #tpu.memory_space<vmem>> -> memref<128xi32, #tpu.memory_space<vmem>>
      %dma_wait3A_66 = arith.constant 0 : i32
      %dma_wait3A_67 = arith.constant 0 : i32
      %dma_wait3A_68 = tpu.memref_slice %arg2[%dma_wait3A_66, %dma_wait3A_67] : memref<10112x128xf32, #tpu.memory_space<hbm>> -> memref<10112x128xf32, #tpu.memory_space<hbm>>
      tpu.wait_indirect_dma semaphore(%arg12 : memref<!tpu.dma_semaphore, #tpu.memory_space<semaphore_mem>>) src(%dma_wait3A_68 : memref<10112x128xf32, #tpu.memory_space<hbm>>) dst(%arg9 : memref<128x128xf32, #tpu.memory_space<vmem>>)
      %add3A_69 = arith.addi %mul3A_6, %mul3A_52 : i32
      "tpu.region"() ({
        %run_scoped3A = tpu.sem_alloc : memref<!tpu.dma_semaphore, #tpu.memory_space<semaphore_mem>>
        %dma_start3A_91 = arith.constant 0 : i32
        %dma_start3A_92 = tpu.memref_slice %arg8[%add3A_69, %dma_start3A_91] : memref<64x128xi32, #tpu.memory_space<vmem>> -> memref<1x128xi32, #tpu.memory_space<vmem>>
        %dma_start3A_93 = tpu.memref_squeeze %dma_start3A_92 : memref<1x128xi32, #tpu.memory_space<vmem>> -> memref<128xi32, #tpu.memory_space<vmem>>
        %dma_start3A_94 = arith.constant 0 : i32
        %dma_start3A_95 = arith.constant 0 : i32
        %dma_start3A_96 = tpu.memref_slice %arg11[%dma_start3A_94, %dma_start3A_95] : memref<10112x128xf32, #tpu.memory_space<vmem_shared>> -> memref<10112x128xf32, #tpu.memory_space<vmem_shared>>
        tpu.enqueue_indirect_dma source(%arg9 : memref<128x128xf32, #tpu.memory_space<vmem>>) target(%dma_start3A_96 : memref<10112x128xf32, #tpu.memory_space<vmem_shared>>) offsets(%dma_start3A_93 : memref<128xi32, #tpu.memory_space<vmem>>) semaphore(%run_scoped3A : memref<!tpu.dma_semaphore, #tpu.memory_space<semaphore_mem>>) {add = true}
        %dma_wait3A_97 = arith.constant 0 : i32
        %dma_wait3A_98 = tpu.memref_slice %arg8[%add3A_69, %dma_wait3A_97] : memref<64x128xi32, #tpu.memory_space<vmem>> -> memref<1x128xi32, #tpu.memory_space<vmem>>
        %dma_wait3A_99 = tpu.memref_squeeze %dma_wait3A_98 : memref<1x128xi32, #tpu.memory_space<vmem>> -> memref<128xi32, #tpu.memory_space<vmem>>
        %dma_wait3A_100 = arith.constant 0 : i32
        %dma_wait3A_101 = arith.constant 0 : i32
        %dma_wait3A_102 = tpu.memref_slice %arg11[%dma_wait3A_100, %dma_wait3A_101] : memref<10112x128xf32, #tpu.memory_space<vmem_shared>> -> memref<10112x128xf32, #tpu.memory_space<vmem_shared>>
        tpu.wait_indirect_dma semaphore(%run_scoped3A : memref<!tpu.dma_semaphore, #tpu.memory_space<semaphore_mem>>) src(%arg9 : memref<128x128xf32, #tpu.memory_space<vmem>>) dst(%dma_wait3A_102 : memref<10112x128xf32, #tpu.memory_space<vmem_shared>>)
        tpu.yield
      }) : () -> ()
      %add3A_70 = arith.constant 2 : i32
      %add3A_71 = arith.addi %mul3A_52, %add3A_70 : i32
      %sub3A_72 = arith.constant 2 : i32
      %sub3A_73 = arith.subi %add3A_10, %sub3A_72 : i32
      %min3A = arith.minsi %add3A_71, %sub3A_73 : i32
      %add3A_74 = arith.addi %mul3A_6, %min3A : i32
      %dma_start3A_75 = arith.constant 0 : i32
      %dma_start3A_76 = tpu.memref_slice %arg7[%add3A_74, %dma_start3A_75] : memref<64x128xi32, #tpu.memory_space<vmem>> -> memref<1x128xi32, #tpu.memory_space<vmem>>
      %dma_start3A_77 = tpu.memref_squeeze %dma_start3A_76 : memref<1x128xi32, #tpu.memory_space<vmem>> -> memref<128xi32, #tpu.memory_space<vmem>>
      %dma_start3A_78 = arith.constant 0 : i32
      %dma_start3A_79 = arith.constant 0 : i32
      %dma_start3A_80 = tpu.memref_slice %arg2[%dma_start3A_78, %dma_start3A_79] : memref<10112x128xf32, #tpu.memory_space<hbm>> -> memref<10112x128xf32, #tpu.memory_space<hbm>>
      tpu.enqueue_indirect_dma source(%dma_start3A_80 : memref<10112x128xf32, #tpu.memory_space<hbm>>) target(%arg9 : memref<128x128xf32, #tpu.memory_space<vmem>>) offsets(%dma_start3A_77 : memref<128xi32, #tpu.memory_space<vmem>>) semaphore(%arg12 : memref<!tpu.dma_semaphore, #tpu.memory_space<semaphore_mem>>)
      %dma_wait3A_81 = arith.constant 0 : i32
      %dma_wait3A_82 = arith.constant 0 : i32
      %dma_wait3A_83 = tpu.memref_slice %arg7[%dma_wait3A_81, %dma_wait3A_82] : memref<64x128xi32, #tpu.memory_space<vmem>> -> memref<1x128xi32, #tpu.memory_space<vmem>>
      %dma_wait3A_84 = tpu.memref_squeeze %dma_wait3A_83 : memref<1x128xi32, #tpu.memory_space<vmem>> -> memref<128xi32, #tpu.memory_space<vmem>>
      %dma_wait3A_85 = arith.constant 0 : i32
      %dma_wait3A_86 = arith.constant 0 : i32
      %dma_wait3A_87 = tpu.memref_slice %arg2[%dma_wait3A_85, %dma_wait3A_86] : memref<10112x128xf32, #tpu.memory_space<hbm>> -> memref<10112x128xf32, #tpu.memory_space<hbm>>
      tpu.wait_indirect_dma semaphore(%arg13 : memref<!tpu.dma_semaphore, #tpu.memory_space<semaphore_mem>>) src(%dma_wait3A_87 : memref<10112x128xf32, #tpu.memory_space<hbm>>) dst(%arg10 : memref<128x128xf32, #tpu.memory_space<vmem>>)
      %add3A_88 = arith.constant 1 : i32
      %add3A_89 = arith.addi %mul3A_52, %add3A_88 : i32
      %add3A_90 = arith.addi %mul3A_6, %add3A_89 : i32
      "tpu.region"() ({
        %run_scoped3A = tpu.sem_alloc : memref<!tpu.dma_semaphore, #tpu.memory_space<semaphore_mem>>
        %dma_start3A_91 = arith.constant 0 : i32
        %dma_start3A_92 = tpu.memref_slice %arg8[%add3A_90, %dma_start3A_91] : memref<64x128xi32, #tpu.memory_space<vmem>> -> memref<1x128xi32, #tpu.memory_space<vmem>>
        %dma_start3A_93 = tpu.memref_squeeze %dma_start3A_92 : memref<1x128xi32, #tpu.memory_space<vmem>> -> memref<128xi32, #tpu.memory_space<vmem>>
        %dma_start3A_94 = arith.constant 0 : i32
        %dma_start3A_95 = arith.constant 0 : i32
        %dma_start3A_96 = tpu.memref_slice %arg11[%dma_start3A_94, %dma_start3A_95] : memref<10112x128xf32, #tpu.memory_space<vmem_shared>> -> memref<10112x128xf32, #tpu.memory_space<vmem_shared>>
        tpu.enqueue_indirect_dma source(%arg10 : memref<128x128xf32, #tpu.memory_space<vmem>>) target(%dma_start3A_96 : memref<10112x128xf32, #tpu.memory_space<vmem_shared>>) offsets(%dma_start3A_93 : memref<128xi32, #tpu.memory_space<vmem>>) semaphore(%run_scoped3A : memref<!tpu.dma_semaphore, #tpu.memory_space<semaphore_mem>>) {add = true}
        %dma_wait3A_97 = arith.constant 0 : i32
        %dma_wait3A_98 = tpu.memref_slice %arg8[%add3A_90, %dma_wait3A_97] : memref<64x128xi32, #tpu.memory_space<vmem>> -> memref<1x128xi32, #tpu.memory_space<vmem>>
        %dma_wait3A_99 = tpu.memref_squeeze %dma_wait3A_98 : memref<1x128xi32, #tpu.memory_space<vmem>> -> memref<128xi32, #tpu.memory_space<vmem>>
        %dma_wait3A_100 = arith.constant 0 : i32
        %dma_wait3A_101 = arith.constant 0 : i32
        %dma_wait3A_102 = tpu.memref_slice %arg11[%dma_wait3A_100, %dma_wait3A_101] : memref<10112x128xf32, #tpu.memory_space<vmem_shared>> -> memref<10112x128xf32, #tpu.memory_space<vmem_shared>>
        tpu.wait_indirect_dma semaphore(%run_scoped3A : memref<!tpu.dma_semaphore, #tpu.memory_space<semaphore_mem>>) src(%arg10 : memref<128x128xf32, #tpu.memory_space<vmem>>) dst(%dma_wait3A_102 : memref<10112x128xf32, #tpu.memory_space<vmem_shared>>)
        tpu.yield
      }) : () -> ()
    }
    %dma_wait3A = arith.constant 0 : i32
    %dma_wait3A_43 = arith.constant 0 : i32
    %dma_wait3A_44 = tpu.memref_slice %arg7[%dma_wait3A, %dma_wait3A_43] : memref<64x128xi32, #tpu.memory_space<vmem>> -> memref<1x128xi32, #tpu.memory_space<vmem>>
    %dma_wait3A_45 = tpu.memref_squeeze %dma_wait3A_44 : memref<1x128xi32, #tpu.memory_space<vmem>> -> memref<128xi32, #tpu.memory_space<vmem>>
    %dma_wait3A_46 = arith.constant 0 : i32
    %dma_wait3A_47 = arith.constant 0 : i32
    %dma_wait3A_48 = tpu.memref_slice %arg2[%dma_wait3A_46, %dma_wait3A_47] : memref<10112x128xf32, #tpu.memory_space<hbm>> -> memref<10112x128xf32, #tpu.memory_space<hbm>>
    tpu.wait_indirect_dma semaphore(%arg12 : memref<!tpu.dma_semaphore, #tpu.memory_space<semaphore_mem>>) src(%dma_wait3A_48 : memref<10112x128xf32, #tpu.memory_space<hbm>>) dst(%arg9 : memref<128x128xf32, #tpu.memory_space<vmem>>)
    %barrier3A_49 = arith.constant 0 : index
    tpu.barrier barrier_id(%barrier3A_49)
    "tpu.region"() ({
      %run_scoped3A = tpu.sem_alloc : memref<!tpu.dma_semaphore, #tpu.memory_space<semaphore_mem>>
      %dma_start3A_50 = arith.constant 0 : i32
      %dma_start3A_51 = tpu.memref_slice %arg6[%arg0, %mul3A_0, %dma_start3A_50] : memref<2x10112x128xf32, #tpu.memory_space<hbm>> -> memref<1x632x128xf32, #tpu.memory_space<hbm>>
      %dma_start3A_52 = tpu.memref_squeeze %dma_start3A_51 : memref<1x632x128xf32, #tpu.memory_space<hbm>> -> memref<632x128xf32, #tpu.memory_space<hbm>>
      %dma_start3A_53 = arith.constant 0 : i32
      %dma_start3A_54 = tpu.memref_slice %arg11[%mul3A_0, %dma_start3A_53] : memref<10112x128xf32, #tpu.memory_space<vmem_shared>> -> memref<632x128xf32, #tpu.memory_space<vmem_shared>>
      tpu.enqueue_dma source(%dma_start3A_54 : memref<632x128xf32, #tpu.memory_space<vmem_shared>>) target(%dma_start3A_52 : memref<632x128xf32, #tpu.memory_space<hbm>>) target_semaphore(%run_scoped3A : memref<!tpu.dma_semaphore, #tpu.memory_space<semaphore_mem>>)
      %dma_wait3A_55 = arith.constant 0 : i32
      %dma_wait3A_56 = tpu.memref_slice %arg6[%arg0, %mul3A_0, %dma_wait3A_55] : memref<2x10112x128xf32, #tpu.memory_space<hbm>> -> memref<1x632x128xf32, #tpu.memory_space<hbm>>
      %dma_wait3A_57 = tpu.memref_squeeze %dma_wait3A_56 : memref<1x632x128xf32, #tpu.memory_space<hbm>> -> memref<632x128xf32, #tpu.memory_space<hbm>>
      %dma_wait3A_58 = arith.constant 0 : i32
      %dma_wait3A_59 = tpu.memref_slice %arg11[%mul3A_0, %dma_wait3A_58] : memref<10112x128xf32, #tpu.memory_space<vmem_shared>> -> memref<632x128xf32, #tpu.memory_space<vmem_shared>>
      tpu.wait_dma2 semaphore(%run_scoped3A : memref<!tpu.dma_semaphore, #tpu.memory_space<semaphore_mem>>) src(%dma_wait3A_59 : memref<632x128xf32, #tpu.memory_space<vmem_shared>>) dst(%dma_wait3A_57 : memref<632x128xf32, #tpu.memory_space<hbm>>)
      tpu.yield
    }) : () -> ()
    return
  }
}

module attributes {stable_mosaic.version = 14 : i64} {
  func.func @body(%arg0: i32, %arg1: memref<2x5000x128xf32, #tpu.memory_space<vmem>>, %arg2: memref<5000x256xf32, #tpu.memory_space<vmem>>, %arg3: memref<256x128xf32, #tpu.memory_space<vmem>>, %arg4: memref<5000x128xf32, #tpu.memory_space<vmem>>) attributes {dimension_semantics = [#tpu.dimension_semantics<arbitrary>], iteration_bounds = array<i64: 2>, scalar_prefetch = 0 : i64, scratch_operands = 0 : i64, tpu.core_type = #tpu.core_type<tc>, window_params = [{transform_indices = @transform_0, window_bounds = array<i64: 2, 5000, 128>}, {transform_indices = @transform_1, window_bounds = array<i64: 5000, 256>}, {pipeline_mode = #tpu.pipeline_mode<synchronous>, transform_indices = @transform_2, window_bounds = array<i64: 256, 128>}, {transform_indices = @transform_3, window_bounds = array<i64: 5000, 128>}]} {
    %get3A = arith.constant 0 : index
    %get3A_0 = arith.constant 0 : index
    %get3A_1 = vector.load %arg2[%get3A, %get3A_0] : memref<5000x256xf32, #tpu.memory_space<vmem>>, vector<5000x256xf32>
    %get3A_2 = arith.constant 0 : index
    %get3A_3 = arith.constant 0 : index
    %get3A_4 = vector.load %arg3[%get3A_2, %get3A_3] : memref<256x128xf32, #tpu.memory_space<vmem>>, vector<256x128xf32>
    %dot_general3A = arith.constant dense<0.000000e+00> : vector<5000x128xf32>
    %dot_general3A_5 = tpu.matmul %get3A_1, %get3A_4, %dot_general3A {dimension_numbers = #tpu.dot_dimension_numbers<[1], [0], [0], [1], [0, 0, 1, 1], [], []>, transpose_lhs_hint = false} : vector<5000x256xf32>, vector<256x128xf32>, vector<5000x128xf32> -> vector<5000x128xf32>
    %get3A_6 = arith.constant 0 : index
    %get3A_7 = arith.constant 0 : index
    %get3A_8 = arith.constant 0 : index
    %get3A_9 = vector.load %arg1[%get3A_6, %get3A_7, %get3A_8] : memref<2x5000x128xf32, #tpu.memory_space<vmem>>, vector<2x5000x128xf32>
    %slice3A = vector.extract_strided_slice %get3A_9 {offsets = [0, 0, 0], sizes = [1, 5000, 1], strides = [1, 1, 1]} : vector<2x5000x128xf32> to vector<1x5000x1xf32>
    %squeeze3A = vector.shape_cast %slice3A : vector<1x5000x1xf32> to vector<5000x1xf32>
    %slice3A_10 = vector.extract_strided_slice %get3A_9 {offsets = [1, 0, 0], sizes = [1, 5000, 1], strides = [1, 1, 1]} : vector<2x5000x128xf32> to vector<1x5000x1xf32>
    %squeeze3A_11 = vector.shape_cast %slice3A_10 : vector<1x5000x1xf32> to vector<5000x1xf32>
    %add3A = arith.addf %squeeze3A, %squeeze3A_11 : vector<5000x1xf32>
    %add3A_12 = arith.constant 1.000000e+00 : f32
    %add3A_13 = vector.broadcast %add3A_12 : f32 to vector<5000x1xf32>
    %add3A_14 = arith.addf %add3A, %add3A_13 : vector<5000x1xf32>
    %rsqrt3A = math.rsqrt %add3A_14 : vector<5000x1xf32>
    %mul3A = vector.broadcast %rsqrt3A : vector<5000x1xf32> to vector<5000x128xf32>
    %mul3A_15 = arith.mulf %dot_general3A_5, %mul3A : vector<5000x128xf32>
    %swap3A = arith.constant 0 : index
    %swap3A_16 = arith.constant 0 : index
    %swap3A_17 = vector.load %arg4[%swap3A, %swap3A_16] : memref<5000x128xf32, #tpu.memory_space<vmem>>, vector<5000x128xf32>
    tpu.vector_store %arg4[%swap3A, %swap3A_16], %mul3A_15 {strides = array<i32>} : memref<5000x128xf32, #tpu.memory_space<vmem>>, vector<5000x128xf32>,
    return
  }
  func.func @transform_0(%arg0: i32) -> (i32, i32, i32) {
    %c0_i32 = arith.constant 0 : i32
    %c0_i32_0 = arith.constant 0 : i32
    %c0_i32_1 = arith.constant 0 : i32
    return %c0_i32, %arg0, %c0_i32_0 : i32, i32, i32
  }
  func.func @transform_1(%arg0: i32) -> (i32, i32) {
    %c0_i32 = arith.constant 0 : i32
    %c0_i32_0 = arith.constant 0 : i32
    return %arg0, %c0_i32 : i32, i32
  }
  func.func @transform_2(%arg0: i32) -> (i32, i32) {
    %c0_i32 = arith.constant 0 : i32
    %c0_i32_0 = arith.constant 0 : i32
    %c0_i32_1 = arith.constant 0 : i32
    return %c0_i32, %c0_i32_0 : i32, i32
  }
  func.func @transform_3(%arg0: i32) -> (i32, i32) {
    %c0_i32 = arith.constant 0 : i32
    %c0_i32_0 = arith.constant 0 : i32
    return %arg0, %c0_i32 : i32, i32
  }
}

module attributes {stable_mosaic.version = 14 : i64} {
  func.func @body(%arg0: i32, %arg1: memref<2x5000x128xf32, #tpu.memory_space<vmem>>, %arg2: memref<2x5000x128xf32, #tpu.memory_space<vmem>>, %arg3: memref<5000x128xf32, #tpu.memory_space<vmem>>, %arg4: memref<1x128xf32, #tpu.memory_space<vmem>>, %arg5: memref<5000x128xf32, #tpu.memory_space<vmem>>) attributes {dimension_semantics = [#tpu.dimension_semantics<arbitrary>], iteration_bounds = array<i64: 2>, scalar_prefetch = 0 : i64, scratch_operands = 0 : i64, tpu.core_type = #tpu.core_type<tc>, window_params = [{transform_indices = @transform_0, window_bounds = array<i64: 2, 5000, 128>}, {transform_indices = @transform_1, window_bounds = array<i64: 2, 5000, 128>}, {transform_indices = @transform_2, window_bounds = array<i64: 5000, 128>}, {pipeline_mode = #tpu.pipeline_mode<synchronous>, transform_indices = @transform_3, window_bounds = array<i64: 1, 128>}, {transform_indices = @transform_4, window_bounds = array<i64: 5000, 128>}]} {
    %get3A = arith.constant 0 : index
    %get3A_0 = arith.constant 0 : index
    %get3A_1 = arith.constant 0 : index
    %get3A_2 = vector.load %arg1[%get3A, %get3A_0, %get3A_1] : memref<2x5000x128xf32, #tpu.memory_space<vmem>>, vector<2x5000x128xf32>
    %slice3A = vector.extract_strided_slice %get3A_2 {offsets = [0, 0, 0], sizes = [1, 5000, 1], strides = [1, 1, 1]} : vector<2x5000x128xf32> to vector<1x5000x1xf32>
    %squeeze3A = vector.shape_cast %slice3A : vector<1x5000x1xf32> to vector<5000x1xf32>
    %slice3A_3 = vector.extract_strided_slice %get3A_2 {offsets = [1, 0, 0], sizes = [1, 5000, 1], strides = [1, 1, 1]} : vector<2x5000x128xf32> to vector<1x5000x1xf32>
    %squeeze3A_4 = vector.shape_cast %slice3A_3 : vector<1x5000x1xf32> to vector<5000x1xf32>
    %add3A = arith.addf %squeeze3A, %squeeze3A_4 : vector<5000x1xf32>
    %add3A_5 = arith.constant 1.000000e+00 : f32
    %add3A_6 = vector.broadcast %add3A_5 : f32 to vector<5000x1xf32>
    %add3A_7 = arith.addf %add3A, %add3A_6 : vector<5000x1xf32>
    %rsqrt3A = math.rsqrt %add3A_7 : vector<5000x1xf32>
    %get3A_8 = arith.constant 0 : index
    %get3A_9 = arith.constant 0 : index
    %get3A_10 = arith.constant 0 : index
    %get3A_11 = vector.load %arg2[%get3A_8, %get3A_9, %get3A_10] : memref<2x5000x128xf32, #tpu.memory_space<vmem>>, vector<2x5000x128xf32>
    %slice3A_12 = vector.extract_strided_slice %get3A_11 {offsets = [0, 0, 0], sizes = [1, 5000, 128], strides = [1, 1, 1]} : vector<2x5000x128xf32> to vector<1x5000x128xf32>
    %squeeze3A_13 = vector.shape_cast %slice3A_12 : vector<1x5000x128xf32> to vector<5000x128xf32>
    %slice3A_14 = vector.extract_strided_slice %get3A_11 {offsets = [1, 0, 0], sizes = [1, 5000, 128], strides = [1, 1, 1]} : vector<2x5000x128xf32> to vector<1x5000x128xf32>
    %squeeze3A_15 = vector.shape_cast %slice3A_14 : vector<1x5000x128xf32> to vector<5000x128xf32>
    %add3A_16 = arith.addf %squeeze3A_13, %squeeze3A_15 : vector<5000x128xf32>
    %get3A_17 = arith.constant 0 : index
    %get3A_18 = arith.constant 0 : index
    %get3A_19 = vector.load %arg3[%get3A_17, %get3A_18] : memref<5000x128xf32, #tpu.memory_space<vmem>>, vector<5000x128xf32>
    %add3A_20 = arith.addf %add3A_16, %get3A_19 : vector<5000x128xf32>
    %mul3A = vector.broadcast %rsqrt3A : vector<5000x1xf32> to vector<5000x128xf32>
    %mul3A_21 = arith.mulf %mul3A, %add3A_20 : vector<5000x128xf32>
    %get3A_22 = arith.constant 0 : index
    %get3A_23 = arith.constant 0 : index
    %get3A_24 = vector.load %arg4[%get3A_22, %get3A_23] : memref<1x128xf32, #tpu.memory_space<vmem>>, vector<1x128xf32>
    %add3A_25 = vector.broadcast %get3A_24 : vector<1x128xf32> to vector<5000x128xf32>
    %add3A_26 = arith.addf %mul3A_21, %add3A_25 : vector<5000x128xf32>
    %max3A = arith.constant 0.000000e+00 : f32
    %max3A_27 = vector.broadcast %max3A : f32 to vector<5000x128xf32>
    %max3A_28 = arith.maximumf %add3A_26, %max3A_27 : vector<5000x128xf32>
    %mul3A_29 = vector.broadcast %rsqrt3A : vector<5000x1xf32> to vector<5000x128xf32>
    %mul3A_30 = arith.mulf %mul3A_29, %max3A_28 : vector<5000x128xf32>
    %swap3A = arith.constant 0 : index
    %swap3A_31 = arith.constant 0 : index
    %swap3A_32 = vector.load %arg5[%swap3A, %swap3A_31] : memref<5000x128xf32, #tpu.memory_space<vmem>>, vector<5000x128xf32>
    tpu.vector_store %arg5[%swap3A, %swap3A_31], %mul3A_30 {strides = array<i32>} : memref<5000x128xf32, #tpu.memory_space<vmem>>, vector<5000x128xf32>,
    return
  }
  func.func @transform_0(%arg0: i32) -> (i32, i32, i32) {
    %c0_i32 = arith.constant 0 : i32
    %c0_i32_0 = arith.constant 0 : i32
    %c0_i32_1 = arith.constant 0 : i32
    return %c0_i32, %arg0, %c0_i32_0 : i32, i32, i32
  }
  func.func @transform_1(%arg0: i32) -> (i32, i32, i32) {
    %c0_i32 = arith.constant 0 : i32
    %c0_i32_0 = arith.constant 0 : i32
    %c0_i32_1 = arith.constant 0 : i32
    return %c0_i32, %arg0, %c0_i32_0 : i32, i32, i32
  }
  func.func @transform_2(%arg0: i32) -> (i32, i32) {
    %c0_i32 = arith.constant 0 : i32
    %c0_i32_0 = arith.constant 0 : i32
    return %arg0, %c0_i32 : i32, i32
  }
  func.func @transform_3(%arg0: i32) -> (i32, i32) {
    %c0_i32 = arith.constant 0 : i32
    %c0_i32_0 = arith.constant 0 : i32
    %c0_i32_1 = arith.constant 0 : i32
    return %c0_i32, %c0_i32_0 : i32, i32
  }
  func.func @transform_4(%arg0: i32) -> (i32, i32) {
    %c0_i32 = arith.constant 0 : i32
    %c0_i32_0 = arith.constant 0 : i32
    return %arg0, %c0_i32 : i32, i32
  }
}

module attributes {stable_mosaic.version = 14 : i64} {
  func.func @body(%arg0: i32, %arg1: memref<2x5000x128xf32, #tpu.memory_space<vmem>>, %arg2: memref<2x5000x128xf32, #tpu.memory_space<vmem>>, %arg3: memref<5000x128xf32, #tpu.memory_space<vmem>>, %arg4: memref<128x256xf32, #tpu.memory_space<vmem>>, %arg5: memref<1x256xf32, #tpu.memory_space<vmem>>, %arg6: memref<5000x256xf32, #tpu.memory_space<vmem>>) attributes {dimension_semantics = [#tpu.dimension_semantics<arbitrary>], iteration_bounds = array<i64: 2>, scalar_prefetch = 0 : i64, scratch_operands = 0 : i64, tpu.core_type = #tpu.core_type<tc>, window_params = [{transform_indices = @transform_0, window_bounds = array<i64: 2, 5000, 128>}, {transform_indices = @transform_1, window_bounds = array<i64: 2, 5000, 128>}, {transform_indices = @transform_2, window_bounds = array<i64: 5000, 128>}, {pipeline_mode = #tpu.pipeline_mode<synchronous>, transform_indices = @transform_3, window_bounds = array<i64: 128, 256>}, {pipeline_mode = #tpu.pipeline_mode<synchronous>, transform_indices = @transform_4, window_bounds = array<i64: 1, 256>}, {transform_indices = @transform_5, window_bounds = array<i64: 5000, 256>}]} {
    %get3A = arith.constant 0 : index
    %get3A_0 = arith.constant 0 : index
    %get3A_1 = arith.constant 0 : index
    %get3A_2 = vector.load %arg1[%get3A, %get3A_0, %get3A_1] : memref<2x5000x128xf32, #tpu.memory_space<vmem>>, vector<2x5000x128xf32>
    %slice3A = vector.extract_strided_slice %get3A_2 {offsets = [0, 0, 0], sizes = [1, 5000, 1], strides = [1, 1, 1]} : vector<2x5000x128xf32> to vector<1x5000x1xf32>
    %squeeze3A = vector.shape_cast %slice3A : vector<1x5000x1xf32> to vector<5000x1xf32>
    %slice3A_3 = vector.extract_strided_slice %get3A_2 {offsets = [1, 0, 0], sizes = [1, 5000, 1], strides = [1, 1, 1]} : vector<2x5000x128xf32> to vector<1x5000x1xf32>
    %squeeze3A_4 = vector.shape_cast %slice3A_3 : vector<1x5000x1xf32> to vector<5000x1xf32>
    %add3A = arith.addf %squeeze3A, %squeeze3A_4 : vector<5000x1xf32>
    %add3A_5 = arith.constant 1.000000e+00 : f32
    %add3A_6 = vector.broadcast %add3A_5 : f32 to vector<5000x1xf32>
    %add3A_7 = arith.addf %add3A, %add3A_6 : vector<5000x1xf32>
    %rsqrt3A = math.rsqrt %add3A_7 : vector<5000x1xf32>
    %get3A_8 = arith.constant 0 : index
    %get3A_9 = arith.constant 0 : index
    %get3A_10 = arith.constant 0 : index
    %get3A_11 = vector.load %arg2[%get3A_8, %get3A_9, %get3A_10] : memref<2x5000x128xf32, #tpu.memory_space<vmem>>, vector<2x5000x128xf32>
    %slice3A_12 = vector.extract_strided_slice %get3A_11 {offsets = [0, 0, 0], sizes = [1, 5000, 128], strides = [1, 1, 1]} : vector<2x5000x128xf32> to vector<1x5000x128xf32>
    %squeeze3A_13 = vector.shape_cast %slice3A_12 : vector<1x5000x128xf32> to vector<5000x128xf32>
    %slice3A_14 = vector.extract_strided_slice %get3A_11 {offsets = [1, 0, 0], sizes = [1, 5000, 128], strides = [1, 1, 1]} : vector<2x5000x128xf32> to vector<1x5000x128xf32>
    %squeeze3A_15 = vector.shape_cast %slice3A_14 : vector<1x5000x128xf32> to vector<5000x128xf32>
    %add3A_16 = arith.addf %squeeze3A_13, %squeeze3A_15 : vector<5000x128xf32>
    %get3A_17 = arith.constant 0 : index
    %get3A_18 = arith.constant 0 : index
    %get3A_19 = vector.load %arg3[%get3A_17, %get3A_18] : memref<5000x128xf32, #tpu.memory_space<vmem>>, vector<5000x128xf32>
    %add3A_20 = arith.addf %add3A_16, %get3A_19 : vector<5000x128xf32>
    %mul3A = vector.broadcast %rsqrt3A : vector<5000x1xf32> to vector<5000x128xf32>
    %mul3A_21 = arith.mulf %mul3A, %add3A_20 : vector<5000x128xf32>
    %get3A_22 = arith.constant 0 : index
    %get3A_23 = arith.constant 0 : index
    %get3A_24 = vector.load %arg4[%get3A_22, %get3A_23] : memref<128x256xf32, #tpu.memory_space<vmem>>, vector<128x256xf32>
    %dot_general3A = arith.constant dense<0.000000e+00> : vector<5000x256xf32>
    %dot_general3A_25 = tpu.matmul %mul3A_21, %get3A_24, %dot_general3A {dimension_numbers = #tpu.dot_dimension_numbers<[1], [0], [0], [1], [0, 0, 1, 1], [], []>, transpose_lhs_hint = false} : vector<5000x128xf32>, vector<128x256xf32>, vector<5000x256xf32> -> vector<5000x256xf32>
    %get3A_26 = arith.constant 0 : index
    %get3A_27 = arith.constant 0 : index
    %get3A_28 = vector.load %arg5[%get3A_26, %get3A_27] : memref<1x256xf32, #tpu.memory_space<vmem>>, vector<1x256xf32>
    %add3A_29 = vector.broadcast %get3A_28 : vector<1x256xf32> to vector<5000x256xf32>
    %add3A_30 = arith.addf %dot_general3A_25, %add3A_29 : vector<5000x256xf32>
    %swap3A = arith.constant 0 : index
    %swap3A_31 = arith.constant 0 : index
    %swap3A_32 = vector.load %arg6[%swap3A, %swap3A_31] : memref<5000x256xf32, #tpu.memory_space<vmem>>, vector<5000x256xf32>
    tpu.vector_store %arg6[%swap3A, %swap3A_31], %add3A_30 {strides = array<i32>} : memref<5000x256xf32, #tpu.memory_space<vmem>>, vector<5000x256xf32>,
    return
  }
  func.func @transform_0(%arg0: i32) -> (i32, i32, i32) {
    %c0_i32 = arith.constant 0 : i32
    %c0_i32_0 = arith.constant 0 : i32
    %c0_i32_1 = arith.constant 0 : i32
    return %c0_i32, %arg0, %c0_i32_0 : i32, i32, i32
  }
  func.func @transform_1(%arg0: i32) -> (i32, i32, i32) {
    %c0_i32 = arith.constant 0 : i32
    %c0_i32_0 = arith.constant 0 : i32
    %c0_i32_1 = arith.constant 0 : i32
    return %c0_i32, %arg0, %c0_i32_0 : i32, i32, i32
  }
  func.func @transform_2(%arg0: i32) -> (i32, i32) {
    %c0_i32 = arith.constant 0 : i32
    %c0_i32_0 = arith.constant 0 : i32
    return %arg0, %c0_i32 : i32, i32
  }
  func.func @transform_3(%arg0: i32) -> (i32, i32) {
    %c0_i32 = arith.constant 0 : i32
    %c0_i32_0 = arith.constant 0 : i32
    %c0_i32_1 = arith.constant 0 : i32
    return %c0_i32, %c0_i32_0 : i32, i32
  }
  func.func @transform_4(%arg0: i32) -> (i32, i32) {
    %c0_i32 = arith.constant 0 : i32
    %c0_i32_0 = arith.constant 0 : i32
    %c0_i32_1 = arith.constant 0 : i32
    return %c0_i32, %c0_i32_0 : i32, i32
  }
  func.func @transform_5(%arg0: i32) -> (i32, i32) {
    %c0_i32 = arith.constant 0 : i32
    %c0_i32_0 = arith.constant 0 : i32
    return %arg0, %c0_i32 : i32, i32
  }
}

</mosaic_0001>

<sc_bundles>
// kernel: kernel.11.cloned.1.call-start
scs
__scs_entry_jumppad:
0x0: {  	(pc) =	sbr.rel $0x88, $3  }
0x1: {  	(tag) =	ssettag $0x0;
	lr =	simm.s32 $0x1  }
0x2: {  	[smem:$0x3F9B] =	sst lr;
	_ =	strace $0xD0000000  }
0x3: {  	_ = 	snop  }
0x4: {  	_ = 	snop  }
0x5: {  	_ = 	snop  }
0x6: {  	_ = 	snop  }
0x7: {  	_ = 	snop  }
__scs_overlays_trampoline_lowered:
0x8: {  	[smem:$0x3FAA] =	sst s0  }
0x9: {  	[smem:$0x3FAB] =	sst s1  }
0xa: {  	[smem:$0x3FAC] =	sst s2  }
0xb: {  	[smem:$0x3FAD] =	sst s3  }
0xc: {  	[smem:$0x3FAE] =	sst s4  }
0xd: {  	[smem:$0x3FAF] =	sst s5  }
0xe: {  	[smem:$0x3FB0] =	sst s6  }
0xf: {  	[smem:$0x3FB1] =	sst s7  }
0x10: {  	[smem:$0x3FB2] =	sst s8  }
0x11: {  	[smem:$0x3FB3] =	sst s9;
	s0 =	simm.s32 @!p0 $0x0  }
0x12: {  	s1 =	sld [smem:$0x3F99];
	s0 =	simm.s32 @p0 $0x1  }
0x13: {  	[smem:$0x3FB4] =	sst s0;
	s0 =	simm.s32 @!p1 $0x0  }
0x14: {  	s2 =	sld [smem:$0x3F98];
	s0 =	simm.s32 @p1 $0x1  }
0x15: {  	[smem:$0x3FB5] =	sst s0;
	s0 =	simm.s32 @!p2 $0x0  }
0x16: {  	s3 =	sld [smem:$0x3FDB];
	s0 =	simm.s32 @p2 $0x1  }
0x17: {  	s4 =	simm.s32 $0x1BF5;
	[smem:$0x3FB7] =	sst s0  }
0x18: {  	s0 =	sld [smem:$0x3F9A];
	_ =	swait.ge [sflag:s4], $0x0  }
0x19: {  	s7 =	sld [smem:$0x3F9B]  }
0x1a: {  	s8 =	sadd.s32 $0xFFFFE003, lr  }
0x1b: {  	s9 =	sadd.s32 $0xFFFFFEF7, lr;
	s5 =	simm.s32 $0xFFFFFFFF;
	p2 =	slt.u32 s8, $0xFFFFF086  }
0x1c: {  	p1 =	slt.u32 s9, $0xF7A;
	s5 =	simm.s32 @!p2 $0x0  }
0x1d: {  	s5 =	simm.s32 @p1 $0x1;
	p0 =	seq.s32 s7, s2  }
0x1e: {  	s7 =	smul.u32 @!p0 $0xF7A, s2;
	p2 =	seq.s32 @!p0 s5, $0x0  }
0x1f: {  	s9 =	smul.u32 $0xF7A, s1;
	s8 =	simm.s32 @!p0 $0x1BF5;
	p2 =	por !p2, p0  }
0x20: {  	[sflag:s8] =	ssyncset.s32 @!p0 $0xFFFFF086;
	s6 =	sadd.s32 @!p0 s3, s7;
	s7 =	simm.s32 @!p0 $0x108  }
0x21: {  	s3 =	sadd.s32 s3, s9;
	s6 =	sadd.s32 @!p0 $0x88, s6;
	s7 =	simm.s32 @p2 $0x1082  }
0x22: {  	[simem:s7], [sflag:s8] =	dma.local @!p0 [hbm:s6], $0xF7A  }
0x23: {  	s9 =	sor.u32 $0xD0000000, s2;
	s6 =	simm.s32 $0x108;
	_ =	swait.ge @!p0 [sflag:s8], $0x0  }
0x24: {  	s3 =	sadd.s32 $0x88, s3;
	s6 =	simm.s32 @!p1 $0x1082;
	[sflag:s4] =	ssyncset.s32 $0xFFFFF086  }
0x25: {  	[simem:s6], [sflag:s4] =	dma.local [hbm:s3], $0xF7A  }
0x26: {  	[smem:$0x3F9B] =	sst s1;
	(tag) =	ssettag s2;
	_ =	strace s9  }
0x27: {  	s1 =	sld [smem:$0x3FAB]  }
0x28: {  	s2 =	sld [smem:$0x3FAC]  }
0x29: {  	s4 =	sld [smem:$0x3FAE]  }
0x2a: {  	p0 =	seq.s32 s5, $0x0;
	s5 =	sld [smem:$0x3FAF]  }
0x2b: {  	s6 =	sld [smem:$0x3FB0]  }
0x2c: {  	s7 =	sld [smem:$0x3FB1]  }
0x2d: {  	s3 =	simm.s32 $0x108;
	s8 =	sld [smem:$0x3FB2]  }
0x2e: {  	s3 =	simm.s32 @!p0 $0x1082;
	s9 =	sld [smem:$0x3FB3]  }
0x2f: {  	lr =	sadd.s32 s0, s3;
	s0 =	sld [smem:$0x3FAA]  }
0x30: {  	s3 =	sld [smem:$0x3FAD]  }
0x31: {  	[smem:$0x3FB6] =	sst s10  }
0x32: {  	s10 =	sld [smem:$0x3FB4];
	_ =	sdelay $0x3  }
0x33: {  	p0 =	seq.s32 s10, $0x1;
	s10 =	sld [smem:$0x3FB6];
	_ =	sdelay $0x3  }
0x34: {  	[smem:$0x3FB6] =	sst s10  }
0x35: {  	s10 =	sld [smem:$0x3FB5];
	_ =	sdelay $0x3  }
0x36: {  	p1 =	seq.s32 s10, $0x1;
	s10 =	sld [smem:$0x3FB6];
	_ =	sdelay $0x3  }
0x37: {  	[smem:$0x3FB6] =	sst s10  }
0x38: {  	s10 =	sld [smem:$0x3FB7]  }
0x39: {  	_ = 	snop;
	(pc) =	sbr.ind lr, $3  }
0x3a: {  	_ = 	snop  }
0x3b: {  	_ = 	snop  }
0x3c: {  	p2 =	seq.s32 s10, $0x1;
	s10 =	sld [smem:$0x3FB6]  }
0x3d: {  	_ =	shalt  }
0x3e: {  	_ =	shalt  }
0x3f: {  	_ =	shalt  }
0x40: {  	_ =	shalt  }
0x41: {  	_ =	shalt  }
0x42: {  	_ =	shalt  }
0x43: {  	_ =	shalt  }
0x44: {  	_ =	shalt  }
0x45: {  	_ =	shalt  }
0x46: {  	_ =	shalt  }
0x47: {  	_ =	shalt  }
0x48: {  	_ =	shalt  }
0x49: {  	_ =	shalt  }
0x4a: {  	_ =	shalt  }
0x4b: {  	_ =	shalt  }
0x4c: {  	_ =	shalt  }
0x4d: {  	_ =	shalt  }
0x4e: {  	_ =	shalt  }
0x4f: {  	_ =	shalt  }
0x50: {  	_ =	shalt  }
0x51: {  	_ =	shalt  }
0x52: {  	_ =	shalt  }
0x53: {  	_ =	shalt  }
0x54: {  	_ =	shalt  }
0x55: {  	_ =	shalt  }
0x56: {  	_ =	shalt  }
0x57: {  	_ =	shalt  }
0x58: {  	_ =	shalt  }
0x59: {  	_ =	shalt  }
0x5a: {  	_ =	shalt  }
0x5b: {  	_ =	shalt  }
0x5c: {  	_ =	shalt  }
0x5d: {  	_ =	shalt  }
0x5e: {  	_ =	shalt  }
0x5f: {  	_ =	shalt  }
0x60: {  	_ =	shalt  }
0x61: {  	_ =	shalt  }
0x62: {  	_ =	shalt  }
0x63: {  	_ =	shalt  }
0x64: {  	_ =	shalt  }
0x65: {  	_ =	shalt  }
0x66: {  	_ =	shalt  }
0x67: {  	_ =	shalt  }
0x68: {  	_ =	shalt  }
0x69: {  	_ =	shalt  }
0x6a: {  	_ =	shalt  }
0x6b: {  	_ =	shalt  }
0x6c: {  	_ =	shalt  }
0x6d: {  	_ =	shalt  }
0x6e: {  	_ =	shalt  }
0x6f: {  	_ =	shalt  }
0x70: {  	_ =	shalt  }
0x71: {  	_ =	shalt  }
0x72: {  	_ =	shalt  }
0x73: {  	_ =	shalt  }
0x74: {  	_ =	shalt  }
0x75: {  	_ =	shalt  }
0x76: {  	_ =	shalt  }
0x77: {  	_ =	shalt  }
0x78: {  	_ =	shalt  }
0x79: {  	_ =	shalt  }
0x7a: {  	_ =	shalt  }
0x7b: {  	_ =	shalt  }
0x7c: {  	_ =	shalt  }
0x7d: {  	_ =	shalt  }
0x7e: {  	_ =	shalt  }
0x7f: {  	_ =	shalt  }
0x80: {  	_ =	shalt  }
0x81: {  	_ =	shalt  }
0x82: {  	_ =	shalt  }
0x83: {  	_ =	shalt  }
0x84: {  	_ =	shalt  }
0x85: {  	_ =	shalt  }
0x86: {  	_ =	shalt  }
0x87: {  	_ =	shalt  }
.Lfunc_end0:
.L_simem_size_0:
called_computation.1_lowered:
.L_overlay_start_0:
0x88: {  	s2 =	sld [smem:$0x3FD9]  }
0x89: {  	s3 =	sld [smem:$0x3FFE];
	_ =	sdelay $0x1  }
0x8a: {  	s1 =	srdreg.scid  }
0x8b: {  	s0 =	sand.u32 $0x1, s1  }
0x8c: {  	s17 =	sshll.u32 s0, $0xA;
	s2 =	sadd.s32 s3, s2  }
0x8d: {  	s2 =	sadd.s32 s2, s17  }
0x8e: {  	[smem:$0x3FC2] =	sst s2  }
0x8f: {  	_ = 	snop  }
0x90: {  	s2 =	sld [smem:$0x3FD0];
	(tm) =	ssettm $0x1  }
0x91: {  	s18 =	sld [smem:$0x3FFB];
	_ =	sdelay $0x3  }
0x92: {  	_ =	strace s18  }
0x93: {  	s3 =	sld [smem:$0x3FFC];
	_ =	sdelay $0x3  }
0x94: {  	_ =	strace s3  }
0x95: {  	s3 =	sld [smem:$0x3FFD];
	_ =	sdelay $0x3  }
0x96: {  	_ =	strace s3  }
0x97: {  	_ =	strace $0x8FFFFFFF  }
0x98: {  	s19 =	sld [smem:$0x3FDB];
	_ =	sdelay $0x1  }
0x99: {  	s4 =	simm.s32 $_scs_section_size  }
0x9a: {  	s5 =	simm.s32 $_size__tile_overlayer_lowered;
	s6 =	simm.s32 $_tile_overlayer_lowered  }
0x9b: {  	s22 =	simm.s32 $0x1BFF;
	s21 =	sshll.u32 s6, $0x1;
	s3 =	sadd.s32 s4, s19  }
0x9c: {  	s7 =	simm.s32 $0x0;
	s20 =	sshll.u32 s5, $0x1;
	s5 =	sadd.s32 s21, s3  }
0x9d: {  	[timem:s7], [sflag:s22] =	dma.local [hbm:s5], s20  }
0x9e: {  	_ =	swait.ge [sflag:s22], s20  }
0x9f: {  	s4 =	ssub.s32 $0x0, s20;
	[sflag:s22] =	ssyncset.done $0x0  }
0xa0: {  	[sflag:s22] =	ssyncadd.s32 s4;
	_ =	sdelay $0x1  }
0xa1: {  	s23 =	simm.s32 $0x1B8B  }
0xa2: {  	_ =	swait.ge [sflag:s23], $0x1  }
0xa3: {  	[sflag:s23] =	ssyncset.done $0x0  }
0xa4: {  	s25 =	simm.s32 $0x1B8E;
	s24 =	sld [smem:$0x3FFE];
	[sflag:s23] =	ssyncadd.s32 $0xFFFFFFFF  }
0xa5: {  	s26 =	simm.s32 $execute0_lowered;
	[smem:$0x3FD2] =	sst s25  }
0xa6: {  	s5 =	sshll.u32 s26, $0x1;
	_ =	strace $0x80000049;
	[dreg:$0x1] =	wrdreg $0xFFFFFFFF  }
0xa7: {  	s28 =	simm.s32 $_size_execute0_lowered;
	s3 =	sadd.s32 s3, s5;
	[dreg:$0x0] =	wrdreg $0x0  }
0xa8: {  	s5 =	sshll.u32 s28, $0x1;
	[dreg:$0x2] =	wrdreg s3  }
0xa9: {  	[dreg:$0x3] =	wrdreg s5  }
0xaa: {  	[dreg:$0x4] =	wrdreg $0xC0  }
0xab: {  	_ =	task [dreg:s7], $0x5FFFF  }
0xac: {  	[dreg:$0x1] =	wrdreg $0xFFFFFFFF  }
0xad: {  	[dreg:$0x0] =	wrdreg $0x60  }
0xae: {  	[dreg:$0x2] =	wrdreg s24  }
0xaf: {  	[dreg:$0x3] =	wrdreg s2  }
0xb0: {  	[dreg:$0x4] =	wrdreg $0xC0000  }
0xb1: {  	[dreg:$0x5] =	wrdreg $0x9  }
0xb2: {  	_ =	task.clear_ibuf [dreg:s7], $0x6FFFF;
	_ =	strace $0x90000049  }
0xb3: {  	s29 =	simm.s32 $0x9;
	_ =	strace $0x8000004B  }
0xb4: {  	_ =	swait.ge [sflag:s29], $0x1  }
0xb5: {  	[sflag:s29] =	ssyncadd.s32 $0xFFFFFFFF  }
0xb6: {  	_ =	strace $0x9000004B  }
0xb7: {  	_ =	sfence  }
0xb8: {  	s30 =	sld [smem:$0x0];
	_ =	sdelay $0x2  }
0xb9: {  	s31 =	sshll.u32 s1, $0xD;
	s1 =	sshrl.u32 s1, $0x2  }
0xba: {  	s3 =	sand.u32 $0x4000, s31;
	s1 =	sadd.s32 s1, s30  }
0xbb: {  	s0 =	sor.u32 s3, s0;
	s1 =	sshll.u32 s1, $0x11  }
0xbc: {  	s0 =	sor.u32 s1, s0  }
0xbd: {  	s0 =	sadd.s32 $0x8F2B, s0  }
0xbe: {  	[sflag:s0] =	ssyncadd.remote.s32 $0x1  }
0xbf: {  	_ =	sfence.sel $0xFFFF  }
0xc0: {  	[dreg:$0x0] =	wrdreg $0xFFFFFFFF;
	(pc) =	sbr.abs _section_cstart, $3  }
0xc1: {  	[dreg:$0x1] =	wrdreg $0xFFFFFFFF  }
0xc2: {  	_ =	task.clear_ibuf [dreg:s7], $0x2FFFF;
	_ =	strace $0x9FFFFFFF  }
0xc3: {  	(tm) =	ssettm $0x7FFFFFFF  }
tec
execute0_lowered:
.L_overlay_start_1:
0x0: {  	(tag) =	ssettag $0x1  }
0x1: {  	s5 =	rddreg [dreg:$0x0];
	s1 =	srdreg.scid  }
0x2: {  	s0 =	stileid.u32;
	s6 =	rddreg [dreg:$0x1]  }
0x3: {  	s2 =	rddreg [dreg:$0x2];
	s3 =	simm.s32 $0x0;
	s4 =	smul.u32 $0x50, s0  }
0x4: {  	s19 =	simm.s32 $0x2000;
	s20 =	simm.s32 $0x80;
	s9 =	smul.u32 $0x13C00, s0  }
0x5: {  	s21 =	simm.s32 $0x4000;
	s7 =	sand.u32 $0x1, s1;
	s14 =	smul.u32 $0x4F000, s0  }
0x6: {  	s22 =	simm.s32 $0x8000;
	s23 =	simm.s32 $0x1;
	s8 =	smul.u32 $0x38, s7  }
0x7: {  	s24 =	simm.s32 $0x2;
	s25 =	simm.s32 $0x0;
	s10 =	smul.u32 $0x13C000, s7  }
0x8: {  	[smem:$0x7FF] =	sst s3;
	s30 =	sshll.u32 s0, $0x6;
	s12 =	smul.u32 $0xFFFFFFD4, s7  }
0x9: {  	_ =	strace $0x8000004A;
	s11 =	ssub.s32 $0x2, s7;
	s31 =	smul.u32 $0xC00, s7  }
0xa: {  	s13 =	sshrl.u32 s11, $0x1;
	s29 =	sshrl.u32 s14, $0x2;
	s8 =	sadd.s32 s8, s4  }
0xb: {  	s4 =	sadd.s32 $0x5CE00, s5;
	s10 =	sadd.s32 s9, s10;
	s17 =	ssub.s32 s11, s13  }
0xc: {  	s28 =	sadd.s32 $0x3E, s12;
	s9 =	sshrl.u32 s9, $0x3;
	s18 =	sadd.s32 s29, s2  }
0xd: {  	s1 =	sadd.s32 $0x3C, s12;
	s8 =	sshll.u32 s8, $0x4;
	s10 =	sshrl.u32 s10, $0x3  }
0xe: {  	s6 =	sadd.s32 s6, s9;
	s11 =	sshrl.u32 s28, $0x1;
	s14 =	smax.u32 s17, $0x1  }
0xf: {  	s17 =	sshrl.u32 s18, $0x3;
	s18 =	simm.s32 $0x3;
	s15 =	sadd.s32 s8, s5  }
0x10: {  	s16 =	sadd.s32 s10, s5;
	s5 =	smul.u32 $0x6, s7;
	s7 =	sor.u32 $0x1C03, s30  }
0x11: {  	s10 =	sshrl.u32 s31, $0x2;
	s8 =	sadd.s32 $0x2E00, s15;
	s9 =	sadd.s32 $0x8200, s15  }
0x12: {  	s13 =	sadd.s32 $0x84600, s16;
	s15 =	sor.u32 $0x80, s10;
	s16 =	sor.u32 $0x2080, s10  }
.LBB2_1:
0x13: {  	[spmem:s17], [sflag:s7] =	dma.local [hbm:s6], $0x2780  }
0x14: {  	_ =	swait.ge [sflag:s18], $0x2780  }
0x15: {  	[sflag:s18] =	ssyncset.done $0x0  }
0x16: {  	[sflag:s18] =	ssyncadd.s32 $0xFFFFD880  }
0x17: {  	[tilespmem:s3], [sflag:$0x3] =	stream.linear.gather [hbm4b:s8+s3], $0x2000, $0x38;
	[tilespmem:$0x1FC00] =	vst v63  }
0x18: {  	_ =	swait.ge [sflag:s18], $0x2000  }
0x19: {  	[sflag:s18] =	ssyncset.done $0x0  }
0x1a: {  	[sflag:s18] =	ssyncadd.s32 $0xFFFFE000  }
0x1b: {  	[tilespmem:s19], [sflag:$0x3] =	stream.linear.gather [hbm4b:s9+s3], $0x2000, $0x38;
	[tilespmem:$0x1FC00] =	vst v63  }
0x1c: {  	_ =	swait.ge [sflag:s18], $0x2000  }
0x1d: {  	[sflag:s18] =	ssyncset.done $0x0  }
0x1e: {  	[sflag:s18] =	ssyncadd.s32 $0xFFFFE000  }
0x1f: {  	[bflag:$0x0] =	sbarrier.arrive $0xFFFF  }
0x20: {  	[tilespmem:s21], [sflag:$0x1] =	stream.indirect.gather [hbm4b:s4+s20], $0x80, s10, s20, $0xb8;
	[tilespmem:$0x1FC00] =	vst v63  }
0x21: {  	_ = 	snop  }
0x22: {  	[tilespmem:s22], [sflag:$0x2] =	stream.indirect.gather [hbm4b:s4+s20], $0x80, s15, s20, $0xb8;
	[tilespmem:$0x1FC00] =	vst v63  }
0x23: {  	_ =	swait.ge [sflag:s23], $0x4000  }
0x24: {  	p0 =	sgt.s32 s1, $0x2;
	s26 =	smov.u32 s1;
	[sflag:s23] =	ssyncset.done $0x0  }
0x25: {  	s28 =	sadd.s32 $0xFFFFFF80, s16;
	s26 =	smov.u32 @p0 s24;
	[sflag:s23] =	ssyncadd.s32 $0xFFFFC000  }
0x26: {  	[spmem:s2] =	stream.indirect.scatter.add.f32 [tilespmem:s21], [sflag:$0x3], $0x80, s28, s20, $0xb8;
	[tilespmem:$0x1FC00] =	vst v63  }
0x27: {  	s26 =	sadd.s32 s5, s26;
	_ =	swait.ge [sflag:s18], $0x4000  }
0x28: {  	s26 =	sshll.u32 s26, $0x9;
	[sflag:s18] =	ssyncset.done $0x0  }
0x29: {  	p0 =	sne.s32 s11, $0x1;
	s26 =	sshra.s32 s26, $0x2;
	[sflag:s18] =	ssyncadd.s32 $0xFFFFC000  }
0x2a: {  	[tilespmem:s21], [sflag:$0x1] =	stream.indirect.gather [hbm4b:s4+s20], $0x80, s26, s20, $0xb8;
	[tilespmem:$0x1FC00] =	vst v63  }
.Ltmp0:
0x2b: {  	_ =	swait.ge [sflag:s24], $0x4000;
	(pc) =	sbr.rel @!p0 .LBB2_3-.Ltmp0, $4  }
0x2c: {  	[sflag:s24] =	ssyncset.done $0x0  }
0x2d: {  	s29 =	smov.u32 s15;
	s30 =	smov.u32 s16;
	[sflag:s24] =	ssyncadd.s32 $0xFFFFC000  }
0x2e: {  	[spmem:s2] =	stream.indirect.scatter.add.f32 [tilespmem:s22], [sflag:$0x3], $0x80, s16, s20, $0xb8;
	[tilespmem:$0x1FC00] =	vst v63  }
0x2f: {  	s28 =	simm.s32 $0x4;
	s26 =	sadd.s32 $0xFFFFFFFF, s11;
	_ =	swait.ge [sflag:s18], $0x4000  }
.LBB2_2:
0x30: {  	[sflag:s18] =	ssyncset.done $0x0;
	s29 =	sadd.s32 $0x100, s29;
	s30 =	sadd.s32 $0x100, s30  }
0x31: {  	p0 =	sne.s32 s26, $0x1;
	s26 =	sadd.s32 $0xFFFFFFFF, s26;
	[sflag:s18] =	ssyncadd.s32 $0xFFFFC000  }
0x32: {  	[tilespmem:s22], [sflag:$0x2] =	stream.indirect.gather [hbm4b:s4+s20], $0x80, s29, s20, $0xb8;
	[tilespmem:$0x1FC00] =	vst v63  }
0x33: {  	p1 =	slt.s32 s28, s1;
	_ =	swait.ge [sflag:s23], $0x4000  }
0x34: {  	s12 =	smov.u32 s1;
	s31 =	sadd.s32 $0xFFFFFF80, s30;
	[sflag:s23] =	ssyncset.done $0x0  }
0x35: {  	s12 =	smov.u32 @p1 s28;
	[sflag:s23] =	ssyncadd.s32 $0xFFFFC000  }
0x36: {  	[spmem:s2] =	stream.indirect.scatter.add.f32 [tilespmem:s21], [sflag:$0x3], $0x80, s31, s20, $0xb8;
	[tilespmem:$0x1FC00] =	vst v63  }
0x37: {  	s12 =	sadd.s32 s5, s12;
	_ =	swait.ge [sflag:s18], $0x4000  }
0x38: {  	s12 =	sshll.u32 s12, $0x9;
	[sflag:s18] =	ssyncset.done $0x0  }
0x39: {  	s12 =	sshra.s32 s12, $0x2;
	[sflag:s18] =	ssyncadd.s32 $0xFFFFC000  }
0x3a: {  	[tilespmem:s21], [sflag:$0x1] =	stream.indirect.gather [hbm4b:s4+s20], $0x80, s12, s20, $0xb8;
	[tilespmem:$0x1FC00] =	vst v63  }
.Ltmp1:
0x3b: {  	_ =	swait.ge [sflag:s24], $0x4000;
	(pc) =	sbr.rel @p0 .LBB2_2-.Ltmp1, $4  }
0x3c: {  	[sflag:s24] =	ssyncset.done $0x0  }
0x3d: {  	[sflag:s24] =	ssyncadd.s32 $0xFFFFC000  }
0x3e: {  	[spmem:s2] =	stream.indirect.scatter.add.f32 [tilespmem:s22], [sflag:$0x3], $0x80, s30, s20, $0xb8;
	[tilespmem:$0x1FC00] =	vst v63  }
0x3f: {  	s28 =	sadd.s32 $0x2, s28;
	_ =	swait.ge [sflag:s18], $0x4000  }
.LBB2_3:
0x40: {  	[sflag:s18] =	ssyncset.done $0x0  }
0x41: {  	[sflag:s18] =	ssyncadd.s32 $0xFFFFC000  }
0x42: {  	_ =	swait.ge [sflag:s23], $0x4000  }
0x43: {  	s25 =	sadd.s32 $0x1, s25;
	[sflag:s23] =	ssyncset.done $0x0  }
0x44: {  	p0 =	sne.s32 s25, s14;
	[sflag:s23] =	ssyncadd.s32 $0xFFFFC000  }
.Ltmp2:
0x45: {  	[bflag:$0x0] =	sbarrier.arrive $0xFFFF;
	(pc) =	sbr.rel @p0 .LBB2_1-.Ltmp2, $4  }
0x46: {  	[hbm:s13], [sflag:s7] =	dma.local [spmem:s17], $0x2780  }
0x47: {  	_ =	swait.ge [sflag:s18], $0x2780  }
0x48: {  	[sflag:s18] =	ssyncset.done $0x0  }
0x49: {  	[sflag:s18] =	ssyncadd.s32 $0xFFFFD880  }
0x4a: {  	_ =	sfence.sel $0x180000  }
0x4b: {  	[bflag:$0x0] =	sbarrier.arrive $0xFFFF  }
0x4c: {  	_ =	strace $0x9000004A  }
0x4d: {  	[bflag:$0x2] =	sbarrier.arrive $0xFFFF  }
0x4e: {  	p0 =	sne.s32 s0, $0x0;
	s0 =	rddreg [dreg:$0x3]  }
0x4f: {  	s0 =	sadd.s32 @!p0 $0x100000, s0  }
0x50: {  	[sflag:s0] =	ssyncadd.tile.s32 @!p0 $0x1;
	_ =	shalt  }
.Lfunc_end2:
_tile_overlayer_lowered:
.L_overlay_start_2:
0x51: {  	(tag) =	ssettag $0x2  }
0x52: {  	s0 =	rddreg [dreg:$0x0];
	s2 =	stileid.u32  }
0x53: {  	s1 =	rddreg [dreg:$0x1];
	p0 =	sne.s32 s2, $0x0  }
0x54: {  	s3 =	rddreg [dreg:$0x2];
	[bflag:$0x3] =	sbarrier.arrive $0xFFFF;
	s2 =	simm.s32 @!p0 $0x1C03  }
0x55: {  	[timem:s3], [sflag:s2] =	dma.local @!p0 [hbm:s0], s1  }
0x56: {  	s0 =	simm.s32 @!p0 $0x3  }
0x57: {  	_ =	swait.ge @!p0 [sflag:s0], s1  }
0x58: {  	s1 =	ssub.s32 @!p0 $0x0, s1;
	[sflag:s0] =	ssyncset.done @!p0 $0x0  }
0x59: {  	[sflag:s0] =	ssyncadd.s32 @!p0 s1  }
0x5a: {  	[bflag:$0x3] =	sbarrier.arrive $0xFFFF  }
0x5b: {  	_ =	shalt  }

// kernel: kernel.14.cloned.1.call-start
scs
__scs_entry_jumppad:
0x0: {  	(pc) =	sbr.rel $0x88, $3  }
0x1: {  	(tag) =	ssettag $0x0;
	lr =	simm.s32 $0x1  }
0x2: {  	[smem:$0x3F9B] =	sst lr;
	_ =	strace $0xD0000000  }
0x3: {  	_ = 	snop  }
0x4: {  	_ = 	snop  }
0x5: {  	_ = 	snop  }
0x6: {  	_ = 	snop  }
0x7: {  	_ = 	snop  }
__scs_overlays_trampoline_lowered:
0x8: {  	[smem:$0x3FAA] =	sst s0  }
0x9: {  	[smem:$0x3FAB] =	sst s1  }
0xa: {  	[smem:$0x3FAC] =	sst s2  }
0xb: {  	[smem:$0x3FAD] =	sst s3  }
0xc: {  	[smem:$0x3FAE] =	sst s4  }
0xd: {  	[smem:$0x3FAF] =	sst s5  }
0xe: {  	[smem:$0x3FB0] =	sst s6  }
0xf: {  	[smem:$0x3FB1] =	sst s7  }
0x10: {  	[smem:$0x3FB2] =	sst s8  }
0x11: {  	[smem:$0x3FB3] =	sst s9;
	s0 =	simm.s32 @!p0 $0x0  }
0x12: {  	s1 =	sld [smem:$0x3F99];
	s0 =	simm.s32 @p0 $0x1  }
0x13: {  	[smem:$0x3FB4] =	sst s0;
	s0 =	simm.s32 @!p1 $0x0  }
0x14: {  	s2 =	sld [smem:$0x3F98];
	s0 =	simm.s32 @p1 $0x1  }
0x15: {  	[smem:$0x3FB5] =	sst s0;
	s0 =	simm.s32 @!p2 $0x0  }
0x16: {  	s3 =	sld [smem:$0x3FDB];
	s0 =	simm.s32 @p2 $0x1  }
0x17: {  	s4 =	simm.s32 $0x1BF5;
	[smem:$0x3FB7] =	sst s0  }
0x18: {  	s0 =	sld [smem:$0x3F9A];
	_ =	swait.ge [sflag:s4], $0x0  }
0x19: {  	s7 =	sld [smem:$0x3F9B]  }
0x1a: {  	s8 =	sadd.s32 $0xFFFFE003, lr  }
0x1b: {  	s9 =	sadd.s32 $0xFFFFFEF7, lr;
	s5 =	simm.s32 $0xFFFFFFFF;
	p2 =	slt.u32 s8, $0xFFFFF086  }
0x1c: {  	p1 =	slt.u32 s9, $0xF7A;
	s5 =	simm.s32 @!p2 $0x0  }
0x1d: {  	s5 =	simm.s32 @p1 $0x1;
	p0 =	seq.s32 s7, s2  }
0x1e: {  	s7 =	smul.u32 @!p0 $0xF7A, s2;
	p2 =	seq.s32 @!p0 s5, $0x0  }
0x1f: {  	s9 =	smul.u32 $0xF7A, s1;
	s8 =	simm.s32 @!p0 $0x1BF5;
	p2 =	por !p2, p0  }
0x20: {  	[sflag:s8] =	ssyncset.s32 @!p0 $0xFFFFF086;
	s6 =	sadd.s32 @!p0 s3, s7;
	s7 =	simm.s32 @!p0 $0x108  }
0x21: {  	s3 =	sadd.s32 s3, s9;
	s6 =	sadd.s32 @!p0 $0x88, s6;
	s7 =	simm.s32 @p2 $0x1082  }
0x22: {  	[simem:s7], [sflag:s8] =	dma.local @!p0 [hbm:s6], $0xF7A  }
0x23: {  	s9 =	sor.u32 $0xD0000000, s2;
	s6 =	simm.s32 $0x108;
	_ =	swait.ge @!p0 [sflag:s8], $0x0  }
0x24: {  	s3 =	sadd.s32 $0x88, s3;
	s6 =	simm.s32 @!p1 $0x1082;
	[sflag:s4] =	ssyncset.s32 $0xFFFFF086  }
0x25: {  	[simem:s6], [sflag:s4] =	dma.local [hbm:s3], $0xF7A  }
0x26: {  	[smem:$0x3F9B] =	sst s1;
	(tag) =	ssettag s2;
	_ =	strace s9  }
0x27: {  	s1 =	sld [smem:$0x3FAB]  }
0x28: {  	s2 =	sld [smem:$0x3FAC]  }
0x29: {  	s4 =	sld [smem:$0x3FAE]  }
0x2a: {  	p0 =	seq.s32 s5, $0x0;
	s5 =	sld [smem:$0x3FAF]  }
0x2b: {  	s6 =	sld [smem:$0x3FB0]  }
0x2c: {  	s7 =	sld [smem:$0x3FB1]  }
0x2d: {  	s3 =	simm.s32 $0x108;
	s8 =	sld [smem:$0x3FB2]  }
0x2e: {  	s3 =	simm.s32 @!p0 $0x1082;
	s9 =	sld [smem:$0x3FB3]  }
0x2f: {  	lr =	sadd.s32 s0, s3;
	s0 =	sld [smem:$0x3FAA]  }
0x30: {  	s3 =	sld [smem:$0x3FAD]  }
0x31: {  	[smem:$0x3FB6] =	sst s10  }
0x32: {  	s10 =	sld [smem:$0x3FB4];
	_ =	sdelay $0x3  }
0x33: {  	p0 =	seq.s32 s10, $0x1;
	s10 =	sld [smem:$0x3FB6];
	_ =	sdelay $0x3  }
0x34: {  	[smem:$0x3FB6] =	sst s10  }
0x35: {  	s10 =	sld [smem:$0x3FB5];
	_ =	sdelay $0x3  }
0x36: {  	p1 =	seq.s32 s10, $0x1;
	s10 =	sld [smem:$0x3FB6];
	_ =	sdelay $0x3  }
0x37: {  	[smem:$0x3FB6] =	sst s10  }
0x38: {  	s10 =	sld [smem:$0x3FB7]  }
0x39: {  	_ = 	snop;
	(pc) =	sbr.ind lr, $3  }
0x3a: {  	_ = 	snop  }
0x3b: {  	_ = 	snop  }
0x3c: {  	p2 =	seq.s32 s10, $0x1;
	s10 =	sld [smem:$0x3FB6]  }
0x3d: {  	_ =	shalt  }
0x3e: {  	_ =	shalt  }
0x3f: {  	_ =	shalt  }
0x40: {  	_ =	shalt  }
0x41: {  	_ =	shalt  }
0x42: {  	_ =	shalt  }
0x43: {  	_ =	shalt  }
0x44: {  	_ =	shalt  }
0x45: {  	_ =	shalt  }
0x46: {  	_ =	shalt  }
0x47: {  	_ =	shalt  }
0x48: {  	_ =	shalt  }
0x49: {  	_ =	shalt  }
0x4a: {  	_ =	shalt  }
0x4b: {  	_ =	shalt  }
0x4c: {  	_ =	shalt  }
0x4d: {  	_ =	shalt  }
0x4e: {  	_ =	shalt  }
0x4f: {  	_ =	shalt  }
0x50: {  	_ =	shalt  }
0x51: {  	_ =	shalt  }
0x52: {  	_ =	shalt  }
0x53: {  	_ =	shalt  }
0x54: {  	_ =	shalt  }
0x55: {  	_ =	shalt  }
0x56: {  	_ =	shalt  }
0x57: {  	_ =	shalt  }
0x58: {  	_ =	shalt  }
0x59: {  	_ =	shalt  }
0x5a: {  	_ =	shalt  }
0x5b: {  	_ =	shalt  }
0x5c: {  	_ =	shalt  }
0x5d: {  	_ =	shalt  }
0x5e: {  	_ =	shalt  }
0x5f: {  	_ =	shalt  }
0x60: {  	_ =	shalt  }
0x61: {  	_ =	shalt  }
0x62: {  	_ =	shalt  }
0x63: {  	_ =	shalt  }
0x64: {  	_ =	shalt  }
0x65: {  	_ =	shalt  }
0x66: {  	_ =	shalt  }
0x67: {  	_ =	shalt  }
0x68: {  	_ =	shalt  }
0x69: {  	_ =	shalt  }
0x6a: {  	_ =	shalt  }
0x6b: {  	_ =	shalt  }
0x6c: {  	_ =	shalt  }
0x6d: {  	_ =	shalt  }
0x6e: {  	_ =	shalt  }
0x6f: {  	_ =	shalt  }
0x70: {  	_ =	shalt  }
0x71: {  	_ =	shalt  }
0x72: {  	_ =	shalt  }
0x73: {  	_ =	shalt  }
0x74: {  	_ =	shalt  }
0x75: {  	_ =	shalt  }
0x76: {  	_ =	shalt  }
0x77: {  	_ =	shalt  }
0x78: {  	_ =	shalt  }
0x79: {  	_ =	shalt  }
0x7a: {  	_ =	shalt  }
0x7b: {  	_ =	shalt  }
0x7c: {  	_ =	shalt  }
0x7d: {  	_ =	shalt  }
0x7e: {  	_ =	shalt  }
0x7f: {  	_ =	shalt  }
0x80: {  	_ =	shalt  }
0x81: {  	_ =	shalt  }
0x82: {  	_ =	shalt  }
0x83: {  	_ =	shalt  }
0x84: {  	_ =	shalt  }
0x85: {  	_ =	shalt  }
0x86: {  	_ =	shalt  }
0x87: {  	_ =	shalt  }
.Lfunc_end0:
.L_simem_size_0:
called_computation.2_lowered:
.L_overlay_start_0:
0x88: {  	s2 =	sld [smem:$0x3FD9]  }
0x89: {  	s3 =	sld [smem:$0x3FFE];
	_ =	sdelay $0x1  }
0x8a: {  	s1 =	srdreg.scid  }
0x8b: {  	s0 =	sand.u32 $0x1, s1  }
0x8c: {  	s17 =	sshll.u32 s0, $0xA;
	s2 =	sadd.s32 s3, s2  }
0x8d: {  	s2 =	sadd.s32 s2, s17  }
0x8e: {  	[smem:$0x3FC2] =	sst s2  }
0x8f: {  	_ = 	snop  }
0x90: {  	s2 =	sld [smem:$0x3FD0];
	(tm) =	ssettm $0x1  }
0x91: {  	s18 =	sld [smem:$0x3FFB];
	_ =	sdelay $0x3  }
0x92: {  	_ =	strace s18  }
0x93: {  	s3 =	sld [smem:$0x3FFC];
	_ =	sdelay $0x3  }
0x94: {  	_ =	strace s3  }
0x95: {  	s3 =	sld [smem:$0x3FFD];
	_ =	sdelay $0x3  }
0x96: {  	_ =	strace s3  }
0x97: {  	_ =	strace $0x8FFFFFFF  }
0x98: {  	s19 =	sld [smem:$0x3FDB];
	_ =	sdelay $0x1  }
0x99: {  	s4 =	simm.s32 $_scs_section_size  }
0x9a: {  	s5 =	simm.s32 $_size__tile_overlayer_lowered;
	s6 =	simm.s32 $_tile_overlayer_lowered  }
0x9b: {  	s22 =	simm.s32 $0x1BFF;
	s21 =	sshll.u32 s6, $0x1;
	s3 =	sadd.s32 s4, s19  }
0x9c: {  	s7 =	simm.s32 $0x0;
	s20 =	sshll.u32 s5, $0x1;
	s5 =	sadd.s32 s21, s3  }
0x9d: {  	[timem:s7], [sflag:s22] =	dma.local [hbm:s5], s20  }
0x9e: {  	_ =	swait.ge [sflag:s22], s20  }
0x9f: {  	s4 =	ssub.s32 $0x0, s20;
	[sflag:s22] =	ssyncset.done $0x0  }
0xa0: {  	[sflag:s22] =	ssyncadd.s32 s4;
	_ =	sdelay $0x1  }
0xa1: {  	s23 =	simm.s32 $0x1B8B  }
0xa2: {  	_ =	swait.ge [sflag:s23], $0x1  }
0xa3: {  	[sflag:s23] =	ssyncset.done $0x0  }
0xa4: {  	s25 =	simm.s32 $0x1B8E;
	s24 =	sld [smem:$0x3FFE];
	[sflag:s23] =	ssyncadd.s32 $0xFFFFFFFF  }
0xa5: {  	s26 =	simm.s32 $execute0_lowered;
	[smem:$0x3FD2] =	sst s25  }
0xa6: {  	s5 =	sshll.u32 s26, $0x1;
	_ =	strace $0x8000004C;
	[dreg:$0x1] =	wrdreg $0xFFFFFFFF  }
0xa7: {  	s28 =	simm.s32 $_size_execute0_lowered;
	s3 =	sadd.s32 s3, s5;
	[dreg:$0x0] =	wrdreg $0x0  }
0xa8: {  	s5 =	sshll.u32 s28, $0x1;
	[dreg:$0x2] =	wrdreg s3  }
0xa9: {  	[dreg:$0x3] =	wrdreg s5  }
0xaa: {  	[dreg:$0x4] =	wrdreg $0xC0  }
0xab: {  	_ =	task [dreg:s7], $0x5FFFF  }
0xac: {  	[dreg:$0x1] =	wrdreg $0xFFFFFFFF  }
0xad: {  	[dreg:$0x0] =	wrdreg $0x60  }
0xae: {  	[dreg:$0x2] =	wrdreg s24  }
0xaf: {  	[dreg:$0x3] =	wrdreg s2  }
0xb0: {  	[dreg:$0x4] =	wrdreg $0xC0000  }
0xb1: {  	[dreg:$0x5] =	wrdreg $0x9  }
0xb2: {  	_ =	task.clear_ibuf [dreg:s7], $0x6FFFF;
	_ =	strace $0x9000004C  }
0xb3: {  	s29 =	simm.s32 $0x9;
	_ =	strace $0x8000004E  }
0xb4: {  	_ =	swait.ge [sflag:s29], $0x1  }
0xb5: {  	[sflag:s29] =	ssyncadd.s32 $0xFFFFFFFF  }
0xb6: {  	_ =	strace $0x9000004E  }
0xb7: {  	_ =	sfence  }
0xb8: {  	s30 =	sld [smem:$0x0];
	_ =	sdelay $0x2  }
0xb9: {  	s31 =	sshll.u32 s1, $0xD;
	s1 =	sshrl.u32 s1, $0x2  }
0xba: {  	s3 =	sand.u32 $0x4000, s31;
	s1 =	sadd.s32 s1, s30  }
0xbb: {  	s0 =	sor.u32 s3, s0;
	s1 =	sshll.u32 s1, $0x11  }
0xbc: {  	s0 =	sor.u32 s1, s0  }
0xbd: {  	s0 =	sadd.s32 $0x8F2B, s0  }
0xbe: {  	[sflag:s0] =	ssyncadd.remote.s32 $0x1  }
0xbf: {  	_ =	sfence.sel $0xFFFF  }
0xc0: {  	[dreg:$0x0] =	wrdreg $0xFFFFFFFF;
	(pc) =	sbr.abs _section_cstart, $3  }
0xc1: {  	[dreg:$0x1] =	wrdreg $0xFFFFFFFF  }
0xc2: {  	_ =	task.clear_ibuf [dreg:s7], $0x2FFFF;
	_ =	strace $0x9FFFFFFF  }
0xc3: {  	(tm) =	ssettm $0x7FFFFFFF  }
tec
execute0_lowered:
.L_overlay_start_1:
0x0: {  	(tag) =	ssettag $0x1  }
0x1: {  	s5 =	rddreg [dreg:$0x0];
	s1 =	srdreg.scid  }
0x2: {  	s0 =	stileid.u32;
	s6 =	rddreg [dreg:$0x1]  }
0x3: {  	s2 =	rddreg [dreg:$0x2];
	s3 =	simm.s32 $0x0;
	s4 =	smul.u32 $0x50, s0  }
0x4: {  	s19 =	simm.s32 $0x2000;
	s20 =	simm.s32 $0x80;
	s9 =	smul.u32 $0x13C00, s0  }
0x5: {  	s21 =	simm.s32 $0x4000;
	s7 =	sand.u32 $0x1, s1;
	s14 =	smul.u32 $0x4F000, s0  }
0x6: {  	s22 =	simm.s32 $0x8000;
	s23 =	simm.s32 $0x1;
	s8 =	smul.u32 $0x38, s7  }
0x7: {  	s24 =	simm.s32 $0x2;
	s25 =	simm.s32 $0x0;
	s10 =	smul.u32 $0x13C000, s7  }
0x8: {  	[smem:$0x7FF] =	sst s3;
	s30 =	sshll.u32 s0, $0x6;
	s12 =	smul.u32 $0xFFFFFFD4, s7  }
0x9: {  	_ =	strace $0x8000004D;
	s11 =	ssub.s32 $0x2, s7;
	s31 =	smul.u32 $0xC00, s7  }
0xa: {  	s13 =	sshrl.u32 s11, $0x1;
	s29 =	sshrl.u32 s14, $0x2;
	s8 =	sadd.s32 s8, s4  }
0xb: {  	s4 =	sadd.s32 $0xD600, s5;
	s10 =	sadd.s32 s9, s10;
	s17 =	ssub.s32 s11, s13  }
0xc: {  	s28 =	sadd.s32 $0x3E, s12;
	s9 =	sshrl.u32 s9, $0x3;
	s18 =	sadd.s32 s29, s2  }
0xd: {  	s1 =	sadd.s32 $0x3C, s12;
	s8 =	sshll.u32 s8, $0x4;
	s10 =	sshrl.u32 s10, $0x3  }
0xe: {  	s6 =	sadd.s32 s6, s9;
	s11 =	sshrl.u32 s28, $0x1;
	s14 =	smax.u32 s17, $0x1  }
0xf: {  	s17 =	sshrl.u32 s18, $0x3;
	s18 =	simm.s32 $0x3;
	s15 =	sadd.s32 s8, s5  }
0x10: {  	s16 =	sadd.s32 s10, s5;
	s5 =	smul.u32 $0x6, s7;
	s7 =	sor.u32 $0x1C03, s30  }
0x11: {  	s10 =	sshrl.u32 s31, $0x2;
	s8 =	sadd.s32 $0x2E00, s15;
	s9 =	sadd.s32 $0x8200, s15  }
0x12: {  	s13 =	sadd.s32 $0x34E00, s16;
	s15 =	sor.u32 $0x80, s10;
	s16 =	sor.u32 $0x2080, s10  }
.LBB2_1:
0x13: {  	[spmem:s17], [sflag:s7] =	dma.local [hbm:s6], $0x2780  }
0x14: {  	_ =	swait.ge [sflag:s18], $0x2780  }
0x15: {  	[sflag:s18] =	ssyncset.done $0x0  }
0x16: {  	[sflag:s18] =	ssyncadd.s32 $0xFFFFD880  }
0x17: {  	[tilespmem:s3], [sflag:$0x3] =	stream.linear.gather [hbm4b:s8+s3], $0x2000, $0x38;
	[tilespmem:$0x1FC00] =	vst v63  }
0x18: {  	_ =	swait.ge [sflag:s18], $0x2000  }
0x19: {  	[sflag:s18] =	ssyncset.done $0x0  }
0x1a: {  	[sflag:s18] =	ssyncadd.s32 $0xFFFFE000  }
0x1b: {  	[tilespmem:s19], [sflag:$0x3] =	stream.linear.gather [hbm4b:s9+s3], $0x2000, $0x38;
	[tilespmem:$0x1FC00] =	vst v63  }
0x1c: {  	_ =	swait.ge [sflag:s18], $0x2000  }
0x1d: {  	[sflag:s18] =	ssyncset.done $0x0  }
0x1e: {  	[sflag:s18] =	ssyncadd.s32 $0xFFFFE000  }
0x1f: {  	[bflag:$0x0] =	sbarrier.arrive $0xFFFF  }
0x20: {  	[tilespmem:s21], [sflag:$0x1] =	stream.indirect.gather [hbm4b:s4+s20], $0x80, s10, s20, $0xb8;
	[tilespmem:$0x1FC00] =	vst v63  }
0x21: {  	_ = 	snop  }
0x22: {  	[tilespmem:s22], [sflag:$0x2] =	stream.indirect.gather [hbm4b:s4+s20], $0x80, s15, s20, $0xb8;
	[tilespmem:$0x1FC00] =	vst v63  }
0x23: {  	_ =	swait.ge [sflag:s23], $0x4000  }
0x24: {  	p0 =	sgt.s32 s1, $0x2;
	s26 =	smov.u32 s1;
	[sflag:s23] =	ssyncset.done $0x0  }
0x25: {  	s28 =	sadd.s32 $0xFFFFFF80, s16;
	s26 =	smov.u32 @p0 s24;
	[sflag:s23] =	ssyncadd.s32 $0xFFFFC000  }
0x26: {  	[spmem:s2] =	stream.indirect.scatter.add.f32 [tilespmem:s21], [sflag:$0x3], $0x80, s28, s20, $0xb8;
	[tilespmem:$0x1FC00] =	vst v63  }
0x27: {  	s26 =	sadd.s32 s5, s26;
	_ =	swait.ge [sflag:s18], $0x4000  }
0x28: {  	s26 =	sshll.u32 s26, $0x9;
	[sflag:s18] =	ssyncset.done $0x0  }
0x29: {  	p0 =	sne.s32 s11, $0x1;
	s26 =	sshra.s32 s26, $0x2;
	[sflag:s18] =	ssyncadd.s32 $0xFFFFC000  }
0x2a: {  	[tilespmem:s21], [sflag:$0x1] =	stream.indirect.gather [hbm4b:s4+s20], $0x80, s26, s20, $0xb8;
	[tilespmem:$0x1FC00] =	vst v63  }
.Ltmp0:
0x2b: {  	_ =	swait.ge [sflag:s24], $0x4000;
	(pc) =	sbr.rel @!p0 .LBB2_3-.Ltmp0, $4  }
0x2c: {  	[sflag:s24] =	ssyncset.done $0x0  }
0x2d: {  	s29 =	smov.u32 s15;
	s30 =	smov.u32 s16;
	[sflag:s24] =	ssyncadd.s32 $0xFFFFC000  }
0x2e: {  	[spmem:s2] =	stream.indirect.scatter.add.f32 [tilespmem:s22], [sflag:$0x3], $0x80, s16, s20, $0xb8;
	[tilespmem:$0x1FC00] =	vst v63  }
0x2f: {  	s28 =	simm.s32 $0x4;
	s26 =	sadd.s32 $0xFFFFFFFF, s11;
	_ =	swait.ge [sflag:s18], $0x4000  }
.LBB2_2:
0x30: {  	[sflag:s18] =	ssyncset.done $0x0;
	s29 =	sadd.s32 $0x100, s29;
	s30 =	sadd.s32 $0x100, s30  }
0x31: {  	p0 =	sne.s32 s26, $0x1;
	s26 =	sadd.s32 $0xFFFFFFFF, s26;
	[sflag:s18] =	ssyncadd.s32 $0xFFFFC000  }
0x32: {  	[tilespmem:s22], [sflag:$0x2] =	stream.indirect.gather [hbm4b:s4+s20], $0x80, s29, s20, $0xb8;
	[tilespmem:$0x1FC00] =	vst v63  }
0x33: {  	p1 =	slt.s32 s28, s1;
	_ =	swait.ge [sflag:s23], $0x4000  }
0x34: {  	s12 =	smov.u32 s1;
	s31 =	sadd.s32 $0xFFFFFF80, s30;
	[sflag:s23] =	ssyncset.done $0x0  }
0x35: {  	s12 =	smov.u32 @p1 s28;
	[sflag:s23] =	ssyncadd.s32 $0xFFFFC000  }
0x36: {  	[spmem:s2] =	stream.indirect.scatter.add.f32 [tilespmem:s21], [sflag:$0x3], $0x80, s31, s20, $0xb8;
	[tilespmem:$0x1FC00] =	vst v63  }
0x37: {  	s12 =	sadd.s32 s5, s12;
	_ =	swait.ge [sflag:s18], $0x4000  }
0x38: {  	s12 =	sshll.u32 s12, $0x9;
	[sflag:s18] =	ssyncset.done $0x0  }
0x39: {  	s12 =	sshra.s32 s12, $0x2;
	[sflag:s18] =	ssyncadd.s32 $0xFFFFC000  }
0x3a: {  	[tilespmem:s21], [sflag:$0x1] =	stream.indirect.gather [hbm4b:s4+s20], $0x80, s12, s20, $0xb8;
	[tilespmem:$0x1FC00] =	vst v63  }
.Ltmp1:
0x3b: {  	_ =	swait.ge [sflag:s24], $0x4000;
	(pc) =	sbr.rel @p0 .LBB2_2-.Ltmp1, $4  }
0x3c: {  	[sflag:s24] =	ssyncset.done $0x0  }
0x3d: {  	[sflag:s24] =	ssyncadd.s32 $0xFFFFC000  }
0x3e: {  	[spmem:s2] =	stream.indirect.scatter.add.f32 [tilespmem:s22], [sflag:$0x3], $0x80, s30, s20, $0xb8;
	[tilespmem:$0x1FC00] =	vst v63  }
0x3f: {  	s28 =	sadd.s32 $0x2, s28;
	_ =	swait.ge [sflag:s18], $0x4000  }
.LBB2_3:
0x40: {  	[sflag:s18] =	ssyncset.done $0x0  }
0x41: {  	[sflag:s18] =	ssyncadd.s32 $0xFFFFC000  }
0x42: {  	_ =	swait.ge [sflag:s23], $0x4000  }
0x43: {  	s25 =	sadd.s32 $0x1, s25;
	[sflag:s23] =	ssyncset.done $0x0  }
0x44: {  	p0 =	sne.s32 s25, s14;
	[sflag:s23] =	ssyncadd.s32 $0xFFFFC000  }
.Ltmp2:
0x45: {  	[bflag:$0x0] =	sbarrier.arrive $0xFFFF;
	(pc) =	sbr.rel @p0 .LBB2_1-.Ltmp2, $4  }
0x46: {  	[hbm:s13], [sflag:s7] =	dma.local [spmem:s17], $0x2780  }
0x47: {  	_ =	swait.ge [sflag:s18], $0x2780  }
0x48: {  	[sflag:s18] =	ssyncset.done $0x0  }
0x49: {  	[sflag:s18] =	ssyncadd.s32 $0xFFFFD880  }
0x4a: {  	_ =	sfence.sel $0x180000  }
0x4b: {  	[bflag:$0x0] =	sbarrier.arrive $0xFFFF  }
0x4c: {  	_ =	strace $0x9000004D  }
0x4d: {  	[bflag:$0x2] =	sbarrier.arrive $0xFFFF  }
0x4e: {  	p0 =	sne.s32 s0, $0x0;
	s0 =	rddreg [dreg:$0x3]  }
0x4f: {  	s0 =	sadd.s32 @!p0 $0x100000, s0  }
0x50: {  	[sflag:s0] =	ssyncadd.tile.s32 @!p0 $0x1;
	_ =	shalt  }
.Lfunc_end2:
_tile_overlayer_lowered:
.L_overlay_start_2:
0x51: {  	(tag) =	ssettag $0x2  }
0x52: {  	s0 =	rddreg [dreg:$0x0];
	s2 =	stileid.u32  }
0x53: {  	s1 =	rddreg [dreg:$0x1];
	p0 =	sne.s32 s2, $0x0  }
0x54: {  	s3 =	rddreg [dreg:$0x2];
	[bflag:$0x3] =	sbarrier.arrive $0xFFFF;
	s2 =	simm.s32 @!p0 $0x1C03  }
0x55: {  	[timem:s3], [sflag:s2] =	dma.local @!p0 [hbm:s0], s1  }
0x56: {  	s0 =	simm.s32 @!p0 $0x3  }
0x57: {  	_ =	swait.ge @!p0 [sflag:s0], s1  }
0x58: {  	s1 =	ssub.s32 @!p0 $0x0, s1;
	[sflag:s0] =	ssyncset.done @!p0 $0x0  }
0x59: {  	[sflag:s0] =	ssyncadd.s32 @!p0 s1  }
0x5a: {  	[bflag:$0x3] =	sbarrier.arrive $0xFFFF  }
0x5b: {  	_ =	shalt  }

// kernel: kernel.8.cloned.1.call-start
scs
__scs_entry_jumppad:
0x0: {  	(pc) =	sbr.rel $0x88, $3  }
0x1: {  	(tag) =	ssettag $0x0;
	lr =	simm.s32 $0x1  }
0x2: {  	[smem:$0x3F9B] =	sst lr;
	_ =	strace $0xD0000000  }
0x3: {  	_ = 	snop  }
0x4: {  	_ = 	snop  }
0x5: {  	_ = 	snop  }
0x6: {  	_ = 	snop  }
0x7: {  	_ = 	snop  }
__scs_overlays_trampoline_lowered:
0x8: {  	[smem:$0x3FAA] =	sst s0  }
0x9: {  	[smem:$0x3FAB] =	sst s1  }
0xa: {  	[smem:$0x3FAC] =	sst s2  }
0xb: {  	[smem:$0x3FAD] =	sst s3  }
0xc: {  	[smem:$0x3FAE] =	sst s4  }
0xd: {  	[smem:$0x3FAF] =	sst s5  }
0xe: {  	[smem:$0x3FB0] =	sst s6  }
0xf: {  	[smem:$0x3FB1] =	sst s7  }
0x10: {  	[smem:$0x3FB2] =	sst s8  }
0x11: {  	[smem:$0x3FB3] =	sst s9;
	s0 =	simm.s32 @!p0 $0x0  }
0x12: {  	s1 =	sld [smem:$0x3F99];
	s0 =	simm.s32 @p0 $0x1  }
0x13: {  	[smem:$0x3FB4] =	sst s0;
	s0 =	simm.s32 @!p1 $0x0  }
0x14: {  	s2 =	sld [smem:$0x3F98];
	s0 =	simm.s32 @p1 $0x1  }
0x15: {  	[smem:$0x3FB5] =	sst s0;
	s0 =	simm.s32 @!p2 $0x0  }
0x16: {  	s3 =	sld [smem:$0x3FDB];
	s0 =	simm.s32 @p2 $0x1  }
0x17: {  	s4 =	simm.s32 $0x1BF5;
	[smem:$0x3FB7] =	sst s0  }
0x18: {  	s0 =	sld [smem:$0x3F9A];
	_ =	swait.ge [sflag:s4], $0x0  }
0x19: {  	s7 =	sld [smem:$0x3F9B]  }
0x1a: {  	s8 =	sadd.s32 $0xFFFFE003, lr  }
0x1b: {  	s9 =	sadd.s32 $0xFFFFFEF7, lr;
	s5 =	simm.s32 $0xFFFFFFFF;
	p2 =	slt.u32 s8, $0xFFFFF086  }
0x1c: {  	p1 =	slt.u32 s9, $0xF7A;
	s5 =	simm.s32 @!p2 $0x0  }
0x1d: {  	s5 =	simm.s32 @p1 $0x1;
	p0 =	seq.s32 s7, s2  }
0x1e: {  	s7 =	smul.u32 @!p0 $0xF7A, s2;
	p2 =	seq.s32 @!p0 s5, $0x0  }
0x1f: {  	s9 =	smul.u32 $0xF7A, s1;
	s8 =	simm.s32 @!p0 $0x1BF5;
	p2 =	por !p2, p0  }
0x20: {  	[sflag:s8] =	ssyncset.s32 @!p0 $0xFFFFF086;
	s6 =	sadd.s32 @!p0 s3, s7;
	s7 =	simm.s32 @!p0 $0x108  }
0x21: {  	s3 =	sadd.s32 s3, s9;
	s6 =	sadd.s32 @!p0 $0x88, s6;
	s7 =	simm.s32 @p2 $0x1082  }
0x22: {  	[simem:s7], [sflag:s8] =	dma.local @!p0 [hbm:s6], $0xF7A  }
0x23: {  	s9 =	sor.u32 $0xD0000000, s2;
	s6 =	simm.s32 $0x108;
	_ =	swait.ge @!p0 [sflag:s8], $0x0  }
0x24: {  	s3 =	sadd.s32 $0x88, s3;
	s6 =	simm.s32 @!p1 $0x1082;
	[sflag:s4] =	ssyncset.s32 $0xFFFFF086  }
0x25: {  	[simem:s6], [sflag:s4] =	dma.local [hbm:s3], $0xF7A  }
0x26: {  	[smem:$0x3F9B] =	sst s1;
	(tag) =	ssettag s2;
	_ =	strace s9  }
0x27: {  	s1 =	sld [smem:$0x3FAB]  }
0x28: {  	s2 =	sld [smem:$0x3FAC]  }
0x29: {  	s4 =	sld [smem:$0x3FAE]  }
0x2a: {  	p0 =	seq.s32 s5, $0x0;
	s5 =	sld [smem:$0x3FAF]  }
0x2b: {  	s6 =	sld [smem:$0x3FB0]  }
0x2c: {  	s7 =	sld [smem:$0x3FB1]  }
0x2d: {  	s3 =	simm.s32 $0x108;
	s8 =	sld [smem:$0x3FB2]  }
0x2e: {  	s3 =	simm.s32 @!p0 $0x1082;
	s9 =	sld [smem:$0x3FB3]  }
0x2f: {  	lr =	sadd.s32 s0, s3;
	s0 =	sld [smem:$0x3FAA]  }
0x30: {  	s3 =	sld [smem:$0x3FAD]  }
0x31: {  	[smem:$0x3FB6] =	sst s10  }
0x32: {  	s10 =	sld [smem:$0x3FB4];
	_ =	sdelay $0x3  }
0x33: {  	p0 =	seq.s32 s10, $0x1;
	s10 =	sld [smem:$0x3FB6];
	_ =	sdelay $0x3  }
0x34: {  	[smem:$0x3FB6] =	sst s10  }
0x35: {  	s10 =	sld [smem:$0x3FB5];
	_ =	sdelay $0x3  }
0x36: {  	p1 =	seq.s32 s10, $0x1;
	s10 =	sld [smem:$0x3FB6];
	_ =	sdelay $0x3  }
0x37: {  	[smem:$0x3FB6] =	sst s10  }
0x38: {  	s10 =	sld [smem:$0x3FB7]  }
0x39: {  	_ = 	snop;
	(pc) =	sbr.ind lr, $3  }
0x3a: {  	_ = 	snop  }
0x3b: {  	_ = 	snop  }
0x3c: {  	p2 =	seq.s32 s10, $0x1;
	s10 =	sld [smem:$0x3FB6]  }
0x3d: {  	_ =	shalt  }
0x3e: {  	_ =	shalt  }
0x3f: {  	_ =	shalt  }
0x40: {  	_ =	shalt  }
0x41: {  	_ =	shalt  }
0x42: {  	_ =	shalt  }
0x43: {  	_ =	shalt  }
0x44: {  	_ =	shalt  }
0x45: {  	_ =	shalt  }
0x46: {  	_ =	shalt  }
0x47: {  	_ =	shalt  }
0x48: {  	_ =	shalt  }
0x49: {  	_ =	shalt  }
0x4a: {  	_ =	shalt  }
0x4b: {  	_ =	shalt  }
0x4c: {  	_ =	shalt  }
0x4d: {  	_ =	shalt  }
0x4e: {  	_ =	shalt  }
0x4f: {  	_ =	shalt  }
0x50: {  	_ =	shalt  }
0x51: {  	_ =	shalt  }
0x52: {  	_ =	shalt  }
0x53: {  	_ =	shalt  }
0x54: {  	_ =	shalt  }
0x55: {  	_ =	shalt  }
0x56: {  	_ =	shalt  }
0x57: {  	_ =	shalt  }
0x58: {  	_ =	shalt  }
0x59: {  	_ =	shalt  }
0x5a: {  	_ =	shalt  }
0x5b: {  	_ =	shalt  }
0x5c: {  	_ =	shalt  }
0x5d: {  	_ =	shalt  }
0x5e: {  	_ =	shalt  }
0x5f: {  	_ =	shalt  }
0x60: {  	_ =	shalt  }
0x61: {  	_ =	shalt  }
0x62: {  	_ =	shalt  }
0x63: {  	_ =	shalt  }
0x64: {  	_ =	shalt  }
0x65: {  	_ =	shalt  }
0x66: {  	_ =	shalt  }
0x67: {  	_ =	shalt  }
0x68: {  	_ =	shalt  }
0x69: {  	_ =	shalt  }
0x6a: {  	_ =	shalt  }
0x6b: {  	_ =	shalt  }
0x6c: {  	_ =	shalt  }
0x6d: {  	_ =	shalt  }
0x6e: {  	_ =	shalt  }
0x6f: {  	_ =	shalt  }
0x70: {  	_ =	shalt  }
0x71: {  	_ =	shalt  }
0x72: {  	_ =	shalt  }
0x73: {  	_ =	shalt  }
0x74: {  	_ =	shalt  }
0x75: {  	_ =	shalt  }
0x76: {  	_ =	shalt  }
0x77: {  	_ =	shalt  }
0x78: {  	_ =	shalt  }
0x79: {  	_ =	shalt  }
0x7a: {  	_ =	shalt  }
0x7b: {  	_ =	shalt  }
0x7c: {  	_ =	shalt  }
0x7d: {  	_ =	shalt  }
0x7e: {  	_ =	shalt  }
0x7f: {  	_ =	shalt  }
0x80: {  	_ =	shalt  }
0x81: {  	_ =	shalt  }
0x82: {  	_ =	shalt  }
0x83: {  	_ =	shalt  }
0x84: {  	_ =	shalt  }
0x85: {  	_ =	shalt  }
0x86: {  	_ =	shalt  }
0x87: {  	_ =	shalt  }
.Lfunc_end0:
.L_simem_size_0:
called_computation_lowered:
.L_overlay_start_0:
0x88: {  	s2 =	sld [smem:$0x3FD9]  }
0x89: {  	s3 =	sld [smem:$0x3FFE];
	_ =	sdelay $0x1  }
0x8a: {  	s1 =	srdreg.scid  }
0x8b: {  	s0 =	sand.u32 $0x1, s1  }
0x8c: {  	s17 =	sshll.u32 s0, $0xA;
	s2 =	sadd.s32 s3, s2  }
0x8d: {  	s2 =	sadd.s32 s2, s17  }
0x8e: {  	[smem:$0x3FC2] =	sst s2  }
0x8f: {  	_ = 	snop  }
0x90: {  	s2 =	sld [smem:$0x3FD0];
	(tm) =	ssettm $0x1  }
0x91: {  	s18 =	sld [smem:$0x3FFB];
	_ =	sdelay $0x3  }
0x92: {  	_ =	strace s18  }
0x93: {  	s3 =	sld [smem:$0x3FFC];
	_ =	sdelay $0x3  }
0x94: {  	_ =	strace s3  }
0x95: {  	s3 =	sld [smem:$0x3FFD];
	_ =	sdelay $0x3  }
0x96: {  	_ =	strace s3  }
0x97: {  	_ =	strace $0x8FFFFFFF  }
0x98: {  	s19 =	sld [smem:$0x3FDB];
	_ =	sdelay $0x1  }
0x99: {  	s4 =	simm.s32 $_scs_section_size  }
0x9a: {  	s5 =	simm.s32 $_size__tile_overlayer_lowered;
	s6 =	simm.s32 $_tile_overlayer_lowered  }
0x9b: {  	s22 =	simm.s32 $0x1BFF;
	s21 =	sshll.u32 s6, $0x1;
	s3 =	sadd.s32 s4, s19  }
0x9c: {  	s7 =	simm.s32 $0x0;
	s20 =	sshll.u32 s5, $0x1;
	s5 =	sadd.s32 s21, s3  }
0x9d: {  	[timem:s7], [sflag:s22] =	dma.local [hbm:s5], s20  }
0x9e: {  	_ =	swait.ge [sflag:s22], s20  }
0x9f: {  	s4 =	ssub.s32 $0x0, s20;
	[sflag:s22] =	ssyncset.done $0x0  }
0xa0: {  	[sflag:s22] =	ssyncadd.s32 s4;
	_ =	sdelay $0x1  }
0xa1: {  	s23 =	simm.s32 $0x1B8B  }
0xa2: {  	_ =	swait.ge [sflag:s23], $0x1  }
0xa3: {  	[sflag:s23] =	ssyncset.done $0x0  }
0xa4: {  	s25 =	simm.s32 $0x1B8E;
	s24 =	sld [smem:$0x3FFE];
	[sflag:s23] =	ssyncadd.s32 $0xFFFFFFFF  }
0xa5: {  	s26 =	simm.s32 $execute0_lowered;
	[smem:$0x3FD2] =	sst s25  }
0xa6: {  	s5 =	sshll.u32 s26, $0x1;
	_ =	strace $0x80000046;
	[dreg:$0x1] =	wrdreg $0xFFFFFFFF  }
0xa7: {  	s28 =	simm.s32 $_size_execute0_lowered;
	s3 =	sadd.s32 s3, s5;
	[dreg:$0x0] =	wrdreg $0x0  }
0xa8: {  	s5 =	sshll.u32 s28, $0x1;
	[dreg:$0x2] =	wrdreg s3  }
0xa9: {  	[dreg:$0x3] =	wrdreg s5  }
0xaa: {  	[dreg:$0x4] =	wrdreg $0xC0  }
0xab: {  	_ =	task [dreg:s7], $0x5FFFF  }
0xac: {  	[dreg:$0x1] =	wrdreg $0xFFFFFFFF  }
0xad: {  	[dreg:$0x0] =	wrdreg $0x60  }
0xae: {  	[dreg:$0x2] =	wrdreg s24  }
0xaf: {  	[dreg:$0x3] =	wrdreg s2  }
0xb0: {  	[dreg:$0x4] =	wrdreg $0x54000  }
0xb1: {  	[dreg:$0x5] =	wrdreg $0x9  }
0xb2: {  	_ =	task.clear_ibuf [dreg:s7], $0x6FFFF;
	_ =	strace $0x90000046  }
0xb3: {  	s29 =	simm.s32 $0x9;
	_ =	strace $0x80000048  }
0xb4: {  	_ =	swait.ge [sflag:s29], $0x1  }
0xb5: {  	[sflag:s29] =	ssyncadd.s32 $0xFFFFFFFF  }
0xb6: {  	_ =	strace $0x90000048  }
0xb7: {  	_ =	sfence  }
0xb8: {  	s30 =	sld [smem:$0x0];
	_ =	sdelay $0x2  }
0xb9: {  	s31 =	sshll.u32 s1, $0xD;
	s1 =	sshrl.u32 s1, $0x2  }
0xba: {  	s3 =	sand.u32 $0x4000, s31;
	s1 =	sadd.s32 s1, s30  }
0xbb: {  	s0 =	sor.u32 s3, s0;
	s1 =	sshll.u32 s1, $0x11  }
0xbc: {  	s0 =	sor.u32 s1, s0  }
0xbd: {  	s0 =	sadd.s32 $0x8F2B, s0  }
0xbe: {  	[sflag:s0] =	ssyncadd.remote.s32 $0x1  }
0xbf: {  	_ =	sfence.sel $0xFFFF  }
0xc0: {  	[dreg:$0x0] =	wrdreg $0xFFFFFFFF;
	(pc) =	sbr.abs _section_cstart, $3  }
0xc1: {  	[dreg:$0x1] =	wrdreg $0xFFFFFFFF  }
0xc2: {  	_ =	task.clear_ibuf [dreg:s7], $0x2FFFF;
	_ =	strace $0x9FFFFFFF  }
0xc3: {  	(tm) =	ssettm $0x7FFFFFFF  }
tec
execute0_lowered:
.L_overlay_start_1:
0x0: {  	(tag) =	ssettag $0x1  }
0x1: {  	s5 =	rddreg [dreg:$0x0]  }
0x2: {  	s0 =	srdreg.scid;
	s6 =	rddreg [dreg:$0x1]  }
0x3: {  	s11 =	stileid.u32;
	s2 =	rddreg [dreg:$0x2];
	s3 =	simm.s32 $0x0  }
0x4: {  	s12 =	simm.s32 $0x1400;
	s13 =	simm.s32 $0x80;
	s17 =	simm.s32 $0xC00  }
0x5: {  	s18 =	simm.s32 $0xC80;
	s19 =	simm.s32 $0xD00;
	s20 =	simm.s32 $0xD80  }
0x6: {  	s21 =	simm.s32 $0xE00;
	s22 =	simm.s32 $0xE80;
	s23 =	simm.s32 $0xF00  }
0x7: {  	s28 =	simm.s32 $0x1100;
	s29 =	simm.s32 $0x1180;
	s30 =	simm.s32 $0x1200  }
0x8: {  	s31 =	simm.s32 $0x1280;
	s14 =	simm.s32 $0x1;
	s15 =	simm.s32 $0x0  }
0x9: {  	s0 =	sand.u32 $0x1, s0;
	s7 =	smul.u32 $0x13C00, s11;
	[smem:$0x7FF] =	sst s3  }
0xa: {  	s9 =	smul.u32 $0x4F000, s11;
	s26 =	sshll.u32 s11, $0x6;
	s1 =	sshll.u32 s0, $0x4  }
0xb: {  	s4 =	smul.u32 $0x13C000, s0;
	_ =	strace $0x80000047;
	s0 =	ssub.s32 $0x2, s0  }
0xc: {  	s1 =	sor.u32 s11, s1;
	s24 =	sshrl.u32 s0, $0x1;
	s25 =	sshrl.u32 s9, $0x2  }
0xd: {  	s11 =	simm.s32 $0x2;
	s1 =	smul.u32 $0x280, s1;
	s4 =	sadd.s32 s7, s4  }
0xe: {  	s0 =	ssub.s32 s0, s24;
	s7 =	sshrl.u32 s7, $0x3;
	s10 =	sadd.s32 s25, s2  }
0xf: {  	s24 =	simm.s32 $0xF80;
	s25 =	simm.s32 $0x1000;
	s8 =	sshrl.u32 s4, $0x3  }
0x10: {  	s4 =	sadd.s32 $0xD600, s5;
	s9 =	smax.u32 s0, $0x1;
	s10 =	sshrl.u32 s10, $0x3  }
0x11: {  	s0 =	simm.s32 $0x1380;
	s1 =	sadd.s32 s1, s5;
	s8 =	sadd.s32 s8, s5  }
0x12: {  	s5 =	sadd.s32 s6, s7;
	s6 =	sor.u32 $0x1C02, s26;
	s26 =	simm.s32 $0x1080  }
0x13: {  	s7 =	sadd.s32 $0x8200, s1;
	s8 =	sadd.s32 $0xDE00, s8;
	s1 =	simm.s32 $0x1300  }
.LBB2_1:
0x14: {  	[spmem:s10], [sflag:s6] =	dma.local [hbm:s5], $0x2780  }
0x15: {  	_ =	swait.ge [sflag:s11], $0x2780  }
0x16: {  	[sflag:s11] =	ssyncset.done $0x0  }
0x17: {  	[sflag:s11] =	ssyncadd.s32 $0xFFFFD880  }
0x18: {  	[tilespmem:s3], [sflag:$0x2] =	stream.linear.gather [hbm4b:s7+s3], $0x1400, $0x38;
	[tilespmem:$0x19000] =	vst v63  }
0x19: {  	_ =	swait.ge [sflag:s11], $0x1400  }
0x1a: {  	[sflag:s11] =	ssyncset.done $0x0  }
0x1b: {  	[sflag:s11] =	ssyncadd.s32 $0xFFFFEC00  }
0x1c: {  	[tilespmem:s12], [sflag:$0x2] =	stream.linear.gather [hbm4b:s4+s3], $0x4000, $0x38;
	[tilespmem:$0x19000] =	vst v63  }
0x1d: {  	_ =	swait.ge [sflag:s11], $0x4000  }
0x1e: {  	[sflag:s11] =	ssyncset.done $0x0  }
0x1f: {  	[sflag:s11] =	ssyncadd.s32 $0xFFFFC000  }
0x20: {  	[bflag:$0x0] =	sbarrier.arrive $0xFFFF  }
0x21: {  	[spmem:s2] =	stream.indirect.scatter.add.f32 [tilespmem:s12], [sflag:$0x1], $0x80, s3, s13, $0xb8;
	[tilespmem:$0x19000] =	vst v63  }
0x22: {  	_ = 	snop  }
0x23: {  	[spmem:s2] =	stream.indirect.scatter.add.f32 [tilespmem:s12], [sflag:$0x1], $0x80, s13, s13, $0xb8;
	[tilespmem:$0x19000] =	vst v63  }
0x24: {  	s16 =	simm.s32 $0x100  }
0x25: {  	[spmem:s2] =	stream.indirect.scatter.add.f32 [tilespmem:s12], [sflag:$0x1], $0x80, s16, s13, $0xb8;
	[tilespmem:$0x19000] =	vst v63  }
0x26: {  	s16 =	simm.s32 $0x180  }
0x27: {  	[spmem:s2] =	stream.indirect.scatter.add.f32 [tilespmem:s12], [sflag:$0x1], $0x80, s16, s13, $0xb8;
	[tilespmem:$0x19000] =	vst v63  }
0x28: {  	s16 =	simm.s32 $0x200  }
0x29: {  	[spmem:s2] =	stream.indirect.scatter.add.f32 [tilespmem:s12], [sflag:$0x1], $0x80, s16, s13, $0xb8;
	[tilespmem:$0x19000] =	vst v63  }
0x2a: {  	s16 =	simm.s32 $0x280  }
0x2b: {  	[spmem:s2] =	stream.indirect.scatter.add.f32 [tilespmem:s12], [sflag:$0x1], $0x80, s16, s13, $0xb8;
	[tilespmem:$0x19000] =	vst v63  }
0x2c: {  	s16 =	simm.s32 $0x300  }
0x2d: {  	[spmem:s2] =	stream.indirect.scatter.add.f32 [tilespmem:s12], [sflag:$0x1], $0x80, s16, s13, $0xb8;
	[tilespmem:$0x19000] =	vst v63  }
0x2e: {  	s16 =	simm.s32 $0x380  }
0x2f: {  	[spmem:s2] =	stream.indirect.scatter.add.f32 [tilespmem:s12], [sflag:$0x1], $0x80, s16, s13, $0xb8;
	[tilespmem:$0x19000] =	vst v63  }
0x30: {  	s16 =	simm.s32 $0x400  }
0x31: {  	[spmem:s2] =	stream.indirect.scatter.add.f32 [tilespmem:s12], [sflag:$0x1], $0x80, s16, s13, $0xb8;
	[tilespmem:$0x19000] =	vst v63  }
0x32: {  	s16 =	simm.s32 $0x480  }
0x33: {  	[spmem:s2] =	stream.indirect.scatter.add.f32 [tilespmem:s12], [sflag:$0x1], $0x80, s16, s13, $0xb8;
	[tilespmem:$0x19000] =	vst v63  }
0x34: {  	s16 =	simm.s32 $0x500  }
0x35: {  	[spmem:s2] =	stream.indirect.scatter.add.f32 [tilespmem:s12], [sflag:$0x1], $0x80, s16, s13, $0xb8;
	[tilespmem:$0x19000] =	vst v63  }
0x36: {  	s16 =	simm.s32 $0x580  }
0x37: {  	[spmem:s2] =	stream.indirect.scatter.add.f32 [tilespmem:s12], [sflag:$0x1], $0x80, s16, s13, $0xb8;
	[tilespmem:$0x19000] =	vst v63  }
0x38: {  	s16 =	simm.s32 $0x600  }
0x39: {  	[spmem:s2] =	stream.indirect.scatter.add.f32 [tilespmem:s12], [sflag:$0x1], $0x80, s16, s13, $0xb8;
	[tilespmem:$0x19000] =	vst v63  }
0x3a: {  	s16 =	simm.s32 $0x680  }
0x3b: {  	[spmem:s2] =	stream.indirect.scatter.add.f32 [tilespmem:s12], [sflag:$0x1], $0x80, s16, s13, $0xb8;
	[tilespmem:$0x19000] =	vst v63  }
0x3c: {  	s16 =	simm.s32 $0x700  }
0x3d: {  	[spmem:s2] =	stream.indirect.scatter.add.f32 [tilespmem:s12], [sflag:$0x1], $0x80, s16, s13, $0xb8;
	[tilespmem:$0x19000] =	vst v63  }
0x3e: {  	s16 =	simm.s32 $0x780  }
0x3f: {  	[spmem:s2] =	stream.indirect.scatter.add.f32 [tilespmem:s12], [sflag:$0x1], $0x80, s16, s13, $0xb8;
	[tilespmem:$0x19000] =	vst v63  }
0x40: {  	s16 =	simm.s32 $0x800  }
0x41: {  	[spmem:s2] =	stream.indirect.scatter.add.f32 [tilespmem:s12], [sflag:$0x1], $0x80, s16, s13, $0xb8;
	[tilespmem:$0x19000] =	vst v63  }
0x42: {  	s16 =	simm.s32 $0x880  }
0x43: {  	[spmem:s2] =	stream.indirect.scatter.add.f32 [tilespmem:s12], [sflag:$0x1], $0x80, s16, s13, $0xb8;
	[tilespmem:$0x19000] =	vst v63  }
0x44: {  	s16 =	simm.s32 $0x900  }
0x45: {  	[spmem:s2] =	stream.indirect.scatter.add.f32 [tilespmem:s12], [sflag:$0x1], $0x80, s16, s13, $0xb8;
	[tilespmem:$0x19000] =	vst v63  }
0x46: {  	s16 =	simm.s32 $0x980  }
0x47: {  	[spmem:s2] =	stream.indirect.scatter.add.f32 [tilespmem:s12], [sflag:$0x1], $0x80, s16, s13, $0xb8;
	[tilespmem:$0x19000] =	vst v63  }
0x48: {  	s16 =	simm.s32 $0xA00  }
0x49: {  	[spmem:s2] =	stream.indirect.scatter.add.f32 [tilespmem:s12], [sflag:$0x1], $0x80, s16, s13, $0xb8;
	[tilespmem:$0x19000] =	vst v63  }
0x4a: {  	s16 =	simm.s32 $0xA80  }
0x4b: {  	[spmem:s2] =	stream.indirect.scatter.add.f32 [tilespmem:s12], [sflag:$0x1], $0x80, s16, s13, $0xb8;
	[tilespmem:$0x19000] =	vst v63  }
0x4c: {  	s16 =	simm.s32 $0xB00  }
0x4d: {  	[spmem:s2] =	stream.indirect.scatter.add.f32 [tilespmem:s12], [sflag:$0x1], $0x80, s16, s13, $0xb8;
	[tilespmem:$0x19000] =	vst v63  }
0x4e: {  	s16 =	simm.s32 $0xB80  }
0x4f: {  	[spmem:s2] =	stream.indirect.scatter.add.f32 [tilespmem:s12], [sflag:$0x1], $0x80, s16, s13, $0xb8;
	[tilespmem:$0x19000] =	vst v63  }
0x50: {  	_ = 	snop  }
0x51: {  	[spmem:s2] =	stream.indirect.scatter.add.f32 [tilespmem:s12], [sflag:$0x1], $0x80, s17, s13, $0xb8;
	[tilespmem:$0x19000] =	vst v63  }
0x52: {  	_ = 	snop  }
0x53: {  	[spmem:s2] =	stream.indirect.scatter.add.f32 [tilespmem:s12], [sflag:$0x1], $0x80, s18, s13, $0xb8;
	[tilespmem:$0x19000] =	vst v63  }
0x54: {  	_ = 	snop  }
0x55: {  	[spmem:s2] =	stream.indirect.scatter.add.f32 [tilespmem:s12], [sflag:$0x1], $0x80, s19, s13, $0xb8;
	[tilespmem:$0x19000] =	vst v63  }
0x56: {  	_ = 	snop  }
0x57: {  	[spmem:s2] =	stream.indirect.scatter.add.f32 [tilespmem:s12], [sflag:$0x1], $0x80, s20, s13, $0xb8;
	[tilespmem:$0x19000] =	vst v63  }
0x58: {  	_ = 	snop  }
0x59: {  	[spmem:s2] =	stream.indirect.scatter.add.f32 [tilespmem:s12], [sflag:$0x1], $0x80, s21, s13, $0xb8;
	[tilespmem:$0x19000] =	vst v63  }
0x5a: {  	_ = 	snop  }
0x5b: {  	[spmem:s2] =	stream.indirect.scatter.add.f32 [tilespmem:s12], [sflag:$0x1], $0x80, s22, s13, $0xb8;
	[tilespmem:$0x19000] =	vst v63  }
0x5c: {  	_ = 	snop  }
0x5d: {  	[spmem:s2] =	stream.indirect.scatter.add.f32 [tilespmem:s12], [sflag:$0x1], $0x80, s23, s13, $0xb8;
	[tilespmem:$0x19000] =	vst v63  }
0x5e: {  	_ = 	snop  }
0x5f: {  	[spmem:s2] =	stream.indirect.scatter.add.f32 [tilespmem:s12], [sflag:$0x1], $0x80, s24, s13, $0xb8;
	[tilespmem:$0x19000] =	vst v63  }
0x60: {  	_ = 	snop  }
0x61: {  	[spmem:s2] =	stream.indirect.scatter.add.f32 [tilespmem:s12], [sflag:$0x1], $0x80, s25, s13, $0xb8;
	[tilespmem:$0x19000] =	vst v63  }
0x62: {  	_ = 	snop  }
0x63: {  	[spmem:s2] =	stream.indirect.scatter.add.f32 [tilespmem:s12], [sflag:$0x1], $0x80, s26, s13, $0xb8;
	[tilespmem:$0x19000] =	vst v63  }
0x64: {  	_ = 	snop  }
0x65: {  	[spmem:s2] =	stream.indirect.scatter.add.f32 [tilespmem:s12], [sflag:$0x1], $0x80, s28, s13, $0xb8;
	[tilespmem:$0x19000] =	vst v63  }
0x66: {  	_ = 	snop  }
0x67: {  	[spmem:s2] =	stream.indirect.scatter.add.f32 [tilespmem:s12], [sflag:$0x1], $0x80, s29, s13, $0xb8;
	[tilespmem:$0x19000] =	vst v63  }
0x68: {  	_ = 	snop  }
0x69: {  	[spmem:s2] =	stream.indirect.scatter.add.f32 [tilespmem:s12], [sflag:$0x1], $0x80, s30, s13, $0xb8;
	[tilespmem:$0x19000] =	vst v63  }
0x6a: {  	_ = 	snop  }
0x6b: {  	[spmem:s2] =	stream.indirect.scatter.add.f32 [tilespmem:s12], [sflag:$0x1], $0x80, s31, s13, $0xb8;
	[tilespmem:$0x19000] =	vst v63  }
0x6c: {  	_ = 	snop  }
0x6d: {  	[spmem:s2] =	stream.indirect.scatter.add.f32 [tilespmem:s12], [sflag:$0x1], $0x80, s1, s13, $0xb8;
	[tilespmem:$0x19000] =	vst v63  }
0x6e: {  	_ = 	snop  }
0x6f: {  	[spmem:s2] =	stream.indirect.scatter.add.f32 [tilespmem:s12], [sflag:$0x1], $0x80, s0, s13, $0xb8;
	[tilespmem:$0x19000] =	vst v63  }
0x70: {  	_ =	swait.ge [sflag:s14], $0x4000  }
0x71: {  	s16 =	simm.s32 $0x27;
	[sflag:s14] =	ssyncset.done $0x0  }
.LBB2_2:
0x72: {  	p0 =	sne.s32 s16, $0x1;
	s16 =	sadd.s32 $0xFFFFFFFF, s16;
	[sflag:s14] =	ssyncadd.s32 $0xFFFFC000  }
.Ltmp0:
0x73: {  	(pc) =	sbr.rel @p0 .LBB2_2-.Ltmp0, $3  }
0x74: {  	_ =	sdelay $0x1  }
0x75: {  	_ =	swait.ge [sflag:s14], $0x4000  }
0x76: {  	[sflag:s14] =	ssyncset.done $0x0  }
0x77: {  	s15 =	sadd.s32 $0x1, s15  }
0x78: {  	[sflag:s14] =	ssyncadd.s32 $0xFFFFC000;
	p0 =	sne.s32 s15, s9  }
.Ltmp1:
0x79: {  	[bflag:$0x0] =	sbarrier.arrive $0xFFFF;
	(pc) =	sbr.rel @p0 .LBB2_1-.Ltmp1, $4  }
0x7a: {  	[hbm:s8], [sflag:s6] =	dma.local [spmem:s10], $0x2780  }
0x7b: {  	_ =	swait.ge [sflag:s11], $0x2780  }
0x7c: {  	[sflag:s11] =	ssyncset.done $0x0  }
0x7d: {  	[sflag:s11] =	ssyncadd.s32 $0xFFFFD880  }
0x7e: {  	_ =	sfence.sel $0x180000  }
0x7f: {  	[bflag:$0x0] =	sbarrier.arrive $0xFFFF  }
0x80: {  	_ =	strace $0x90000047  }
0x81: {  	s0 =	stileid.u32;
	[bflag:$0x2] =	sbarrier.arrive $0xFFFF  }
0x82: {  	p0 =	sne.s32 s0, $0x0;
	s0 =	rddreg [dreg:$0x3]  }
0x83: {  	s0 =	sadd.s32 @!p0 $0x100000, s0  }
0x84: {  	[sflag:s0] =	ssyncadd.tile.s32 @!p0 $0x1;
	_ =	shalt  }
.Lfunc_end2:
_tile_overlayer_lowered:
.L_overlay_start_2:
0x85: {  	(tag) =	ssettag $0x2  }
0x86: {  	s0 =	rddreg [dreg:$0x0];
	s2 =	stileid.u32  }
0x87: {  	s1 =	rddreg [dreg:$0x1];
	p0 =	sne.s32 s2, $0x0  }
0x88: {  	s3 =	rddreg [dreg:$0x2];
	[bflag:$0x3] =	sbarrier.arrive $0xFFFF;
	s2 =	simm.s32 @!p0 $0x1C02  }
0x89: {  	[timem:s3], [sflag:s2] =	dma.local @!p0 [hbm:s0], s1  }
0x8a: {  	s0 =	simm.s32 @!p0 $0x2  }
0x8b: {  	_ =	swait.ge @!p0 [sflag:s0], s1  }
0x8c: {  	s1 =	ssub.s32 @!p0 $0x0, s1;
	[sflag:s0] =	ssyncset.done @!p0 $0x0  }
0x8d: {  	[sflag:s0] =	ssyncadd.s32 @!p0 s1  }
0x8e: {  	[bflag:$0x3] =	sbarrier.arrive $0xFFFF  }
0x8f: {  	_ =	shalt  }

</sc_bundles>
